<compile_context>
chip_gen: v7x
topology: tpu7x:2x2x1
jax: 0.10.2.dev20260603
libtpu: 0.0.44.dev20260713+nightly
codegen_flags: <defaults>
</compile_context>

<pallas_src>
import functools

import jax
import jax.numpy as jnp
from jax import lax
from jax.experimental import pallas as pl
from jax.experimental.pallas import tpu as pltpu
from jax.experimental.pallas import tpu_sc as plsc

NC = 2
NS = 16
NW = NC * NS

CHUNK = 128
D = 128

N_NODES = 10000
ACC_ROWS = 10240
SLT = ACC_ROWS // NS
NPIECE = SLT // CHUNK
DUMMY = N_NODES

E_EDGES = 320000

CPT0 = 106
CPT1 = 51
CPTM = CPT0
E0 = NS * CPT0 * CHUNK
E1 = E_EDGES - E0
E1_SLOTS = NS * CPT1 * CHUNK

DCPT = 80
DE_PAD = NW * DCPT * CHUNK
DBATCH = 16



def _seg_body(row_hbm, col_hbm, h_hbm, out_hbm,
              idx_r, idx_c, rows_v, acc, sem):
  cid = lax.axis_index("c")
  sid = lax.axis_index("s")
  wid = cid * NS + sid
  base = sid * SLT

  def zfill(i, carry):
    def zlane(j, c2):
      rows_v[i, pl.ds(j * 16, 16)] = jnp.zeros((16,), jnp.float32)
      return c2
    return lax.fori_loop(0, D // 16, zlane, carry)
  lax.fori_loop(0, CHUNK, zfill, 0)
  for p in range(NPIECE):
    pltpu.sync_copy(rows_v, acc.at[pl.ds(base + p * CHUNK, CHUNK)])
  plsc.subcore_barrier()

  def chunk_step(c, carry):
    pltpu.sync_copy(row_hbm.at[wid, c], idx_r)
    pltpu.sync_copy(col_hbm.at[wid, c], idx_c)
    pltpu.async_copy(h_hbm.at[idx_r], rows_v, sem).wait()
    pltpu.sync_copy(rows_v, acc.at[idx_c], add=True)
    return carry

  n_chunks = jnp.where(cid == 0, CPT0, CPT1)
  lax.fori_loop(0, n_chunks, chunk_step, 0)
  plsc.subcore_barrier()

  obase = cid * ACC_ROWS + base
  pltpu.sync_copy(acc.at[pl.ds(base, SLT)], out_hbm.at[pl.ds(obase, SLT)])


@functools.lru_cache(maxsize=None)
def _seg_sum_kernel():
  mesh = plsc.VectorSubcoreMesh(
      core_axis_name="c", subcore_axis_name="s",
      num_cores=NC, num_subcores=NS)
  return pl.kernel(
      _seg_body, mesh=mesh,
      out_type=jax.ShapeDtypeStruct((NC * ACC_ROWS, D), jnp.float32),
      scratch_types=[
          pltpu.VMEM((CHUNK,), jnp.int32),
          pltpu.VMEM((CHUNK,), jnp.int32),
          pltpu.VMEM((CHUNK, D), jnp.float32),
          pltpu.VMEM_SHARED((ACC_ROWS, D), jnp.float32),
          pltpu.SemaphoreType.DMA,
      ],
  )


def _pad_dummy(n, offset=0):
  return (jnp.arange(offset, offset + n, dtype=jnp.int32)
          % (ACC_ROWS - N_NODES)) + DUMMY


def _deg_body(col_hbm, out_hbm, coli, ones_v, stage_v, acc, sem):
  cid = lax.axis_index("c")
  sid = lax.axis_index("s")
  wid = cid * NS + sid

  pltpu.sync_copy(col_hbm.at[wid], coli)

  for i in range(CHUNK // 16):
    ones_v[pl.ds(i * 16, 16)] = jnp.full((16,), 1.0, jnp.float32)

  def zfill(i, carry):
    stage_v[pl.ds(i * 16, 16)] = jnp.zeros((16,), jnp.float32)
    return carry
  lax.fori_loop(0, SLT // 16, zfill, 0)
  pltpu.sync_copy(stage_v, acc.at[pl.ds(sid * SLT, SLT)])
  plsc.subcore_barrier()

  def batch_step(bt, carry):
    base = bt * DBATCH
    def fire(k, c2):
      pltpu.async_copy(ones_v, acc.at[coli.at[base + k]], sem, add=True)
      return c2
    lax.fori_loop(0, DBATCH, fire, 0)
    def drain(k, c2):
      pltpu.make_async_copy(ones_v, acc.at[coli.at[base + k]], sem).wait()
      return c2
    lax.fori_loop(0, DBATCH, drain, 0)
    return carry

  lax.fori_loop(0, DCPT // DBATCH, batch_step, 0)
  plsc.subcore_barrier()

  pltpu.sync_copy(acc.at[pl.ds(sid * SLT, SLT)],
                  out_hbm.at[pl.ds(cid * ACC_ROWS + sid * SLT, SLT)])


@functools.lru_cache(maxsize=None)
def _deg_sum_kernel():
  mesh = plsc.VectorSubcoreMesh(
      core_axis_name="c", subcore_axis_name="s",
      num_cores=NC, num_subcores=NS)
  return pl.kernel(
      _deg_body, mesh=mesh,
      out_type=jax.ShapeDtypeStruct((NC * ACC_ROWS,), jnp.float32),
      scratch_types=[
          pltpu.VMEM((DCPT, CHUNK), jnp.int32),
          pltpu.VMEM((CHUNK,), jnp.float32),
          pltpu.VMEM((SLT,), jnp.float32),
          pltpu.VMEM_SHARED((ACC_ROWS,), jnp.float32),
          pltpu.SemaphoreType.DMA,
      ],
  )



ROW_BLK = 1000
GRID = N_NODES // ROW_BLK


def _stage_a_body(x_ref, w_ref, d0_ref, d1_ref, hp_ref, dis_ref):
  dis = lax.rsqrt(d0_ref[...] + d1_ref[...] + 1.0)
  h = jnp.dot(x_ref[...], w_ref[...], preferred_element_type=jnp.float32)
  hp_ref[...] = dis * h
  dis_ref[...] = dis


def _stage_a(x, w1, d0, d1):
  return pl.pallas_call(
      _stage_a_body,
      grid=(GRID,),
      in_specs=[
          pl.BlockSpec((ROW_BLK, D), lambda i: (i, 0)),
          pl.BlockSpec((D, D), lambda i: (0, 0)),
          pl.BlockSpec((ROW_BLK, 1), lambda i: (i, 0)),
          pl.BlockSpec((ROW_BLK, 1), lambda i: (i, 0)),
      ],
      out_specs=[
          pl.BlockSpec((ROW_BLK, D), lambda i: (i, 0)),
          pl.BlockSpec((ROW_BLK, 1), lambda i: (i, 0)),
      ],
      out_shape=[
          jax.ShapeDtypeStruct((N_NODES, D), jnp.float32),
          jax.ShapeDtypeStruct((N_NODES, 1), jnp.float32),
      ],
  )(x, w1, d0, d1)


def _stage_b_body(p0_ref, p1_ref, hp_ref, dis_ref, b_ref, w_ref, out_ref):
  dis = dis_ref[...]
  a = dis * (p0_ref[...] + p1_ref[...] + hp_ref[...]) + b_ref[...]
  a = jnp.maximum(a, 0.0)
  out_ref[...] = dis * jnp.dot(a, w_ref[...],
                               preferred_element_type=jnp.float32)


def _stage_b(p0, p1, hp, dis, b1, w2):
  return pl.pallas_call(
      _stage_b_body,
      grid=(GRID,),
      in_specs=[
          pl.BlockSpec((ROW_BLK, D), lambda i: (i, 0)),
          pl.BlockSpec((ROW_BLK, D), lambda i: (i, 0)),
          pl.BlockSpec((ROW_BLK, D), lambda i: (i, 0)),
          pl.BlockSpec((ROW_BLK, 1), lambda i: (i, 0)),
          pl.BlockSpec((1, D), lambda i: (0, 0)),
          pl.BlockSpec((D, D), lambda i: (0, 0)),
      ],
      out_specs=pl.BlockSpec((ROW_BLK, D), lambda i: (i, 0)),
      out_shape=jax.ShapeDtypeStruct((N_NODES, D), jnp.float32),
  )(p0, p1, hp, dis, b1, w2)


def _stage_c_body(p0_ref, p1_ref, hp_ref, dis_ref, b_ref, wfc_ref, bfc_ref,
                  out_ref, acc_ref):
  i = pl.program_id(0)

  @pl.when(i == 0)
  def _():
    acc_ref[...] = jnp.zeros_like(acc_ref)

  a = dis_ref[...] * (p0_ref[...] + p1_ref[...] + hp_ref[...]) + b_ref[...]
  acc_ref[...] += jnp.sum(a, axis=0, keepdims=True)

  @pl.when(i == GRID - 1)
  def _():
    g = acc_ref[...] * (1.0 / N_NODES)
    out_ref[...] = lax.dot_general(
        g, wfc_ref[...], (((1,), (1,)), ((), ())),
        preferred_element_type=jnp.float32) + bfc_ref[...]


def _stage_c(p0, p1, hp, dis, b2, wfc, bfc):
  return pl.pallas_call(
      _stage_c_body,
      grid=(GRID,),
      in_specs=[
          pl.BlockSpec((ROW_BLK, D), lambda i: (i, 0)),
          pl.BlockSpec((ROW_BLK, D), lambda i: (i, 0)),
          pl.BlockSpec((ROW_BLK, D), lambda i: (i, 0)),
          pl.BlockSpec((ROW_BLK, 1), lambda i: (i, 0)),
          pl.BlockSpec((1, D), lambda i: (0, 0)),
          pl.BlockSpec((40, D), lambda i: (0, 0)),
          pl.BlockSpec((1, 40), lambda i: (0, 0)),
      ],
      out_specs=pl.BlockSpec((1, 40), lambda i: (0, 0)),
      out_shape=jax.ShapeDtypeStruct((1, 40), jnp.float32),
      scratch_shapes=[pltpu.VMEM((1, D), jnp.float32)],
  )(p0, p1, hp, dis, b2, wfc, bfc)



def _halves(s):
  return s[:N_NODES], s[ACC_ROWS:ACC_ROWS + N_NODES]


def kernel(x, edge_index, W1, b1, W2, b2, Wfc, bfc):
  row = edge_index[0]
  col = edge_index[1]

  pad1 = E1_SLOTS - E1
  row_sc0 = row[:E0].reshape(NS, CPT0, CHUNK)
  col_sc0 = col[:E0].reshape(NS, CPT0, CHUNK)
  row_sc1 = jnp.concatenate([row[E0:], jnp.zeros((pad1,), jnp.int32)])
  col_sc1 = jnp.concatenate([col[E0:], _pad_dummy(pad1)])
  row_sc1 = row_sc1.reshape(NS, CPT1, CHUNK)
  col_sc1 = col_sc1.reshape(NS, CPT1, CHUNK)
  fill = ((0, 0), (0, CPTM - CPT1), (0, 0))
  row3 = jnp.concatenate(
      [row_sc0, jnp.pad(row_sc1, fill)], axis=0)
  col3 = jnp.concatenate(
      [col_sc0, jnp.pad(col_sc1, fill, constant_values=DUMMY)], axis=0)

  pad_d = DE_PAD - E_EDGES
  col3d = jnp.concatenate([col, _pad_dummy(pad_d)]).reshape(NW, DCPT, CHUNK)

  degp = _deg_sum_kernel()(col3d)
  degp = degp.reshape(-1, 1)
  d0, d1 = _halves(degp)

  hp1, dis = _stage_a(x, W1, d0, d1)
  s1a, s1b = _halves(_seg_sum_kernel()(row3, col3, hp1))
  hp2 = _stage_b(s1a, s1b, hp1, dis, b1.reshape(1, D), W2)
  s2a, s2b = _halves(_seg_sum_kernel()(row3, col3, hp2))
  out = _stage_c(s2a, s2b, hp2, dis, b2.reshape(1, D), Wfc,
                 bfc.reshape(1, 40))
  return out

# --- scband reference (transcript-rebuilt; emitter-appended) ---
"""Pipeline reference for scband-gcn-4449586118993 (READ-ONLY COPY).

The authoritative reference and input builder live on the scoring server;
editing this copy changes nothing except your own understanding.
"""

import jax, jax.numpy as jnp
import numpy as np

N = 10000
E = 320000
D_IN = 128
D_HID = 128
D_OUT = 40


def setup_inputs(seed: int = 0) -> dict:
    key = jax.random.key(seed)
    ks = jax.random.split(key, 8)
    x = jax.random.normal(ks[0], (N, D_IN), dtype=jnp.float32)
    edge_index = jax.random.randint(ks[1], (2, E), 0, N).astype(jnp.int32)
    s1 = 1.0 / np.sqrt(D_IN)
    s2 = 1.0 / np.sqrt(D_HID)
    W1 = jax.random.uniform(ks[2], (D_IN, D_HID), dtype=jnp.float32, minval=-s1, maxval=s1)
    b1 = jnp.zeros((D_HID,), dtype=jnp.float32)
    W2 = jax.random.uniform(ks[3], (D_HID, D_HID), dtype=jnp.float32, minval=-s2, maxval=s2)
    b2 = jnp.zeros((D_HID,), dtype=jnp.float32)
    Wfc = jax.random.uniform(ks[4], (D_OUT, D_HID), dtype=jnp.float32, minval=-s2, maxval=s2)
    bfc = jax.random.uniform(ks[5], (D_OUT,), dtype=jnp.float32, minval=-s2, maxval=s2)
    return {"x": x, "edge_index": edge_index, "W1": W1, "b1": b1, "W2": W2, "b2": b2, "Wfc": Wfc, "bfc": bfc}


def _gcn_norm(edge_index, num_nodes):
    # add self loops (fill value 1.0), symmetric normalization D^-1/2 A D^-1/2
    loop = jnp.arange(num_nodes, dtype=edge_index.dtype)
    row = jnp.concatenate([edge_index[0], loop])
    col = jnp.concatenate([edge_index[1], loop])
    ew = jnp.ones(row.shape[0], dtype=jnp.float32)
    deg = jax.ops.segment_sum(ew, col, num_segments=num_nodes)
    dis = jnp.where(deg > 0, jax.lax.rsqrt(jnp.maximum(deg, 1e-12)), 0.0)
    norm = dis[row] * ew * dis[col]
    return row, col, norm


def _gcn_conv(x, row, col, norm, W, b, num_nodes):
    h = x @ W
    msg = h[row] * norm[:, None]
    out = jax.ops.segment_sum(msg, col, num_segments=num_nodes)
    return out + b


def reference(x, edge_index, W1, b1, W2, b2, Wfc, bfc):
    num_nodes = x.shape[0]
    row, col, norm = _gcn_norm(edge_index, num_nodes)
    h = _gcn_conv(x, row, col, norm, W1, b1, num_nodes)
    h = jax.nn.relu(h)
    # dropout is identity in eval mode (training=False)
    h = _gcn_conv(h, row, col, norm, W2, b2, num_nodes)
    # global_mean_pool with all-zero batch vector -> mean over all nodes
    g = jnp.mean(h, axis=0, keepdims=True)
    out = g @ Wfc.T + bfc
    return out

if __name__ == "__main__":
    import jax
    _d = setup_inputs()
    print(jax.jit(kernel)(*tuple(_d.values())))

</pallas_src>

<mosaic_0001>
#map = affine_map<(d0, d1) -> (0, 0, 0)>
#map1 = affine_map<(d0, d1) -> (0, 0)>
module attributes {stable_mosaic.version = 14 : i64} {
  func.func @_seg_body(%arg0: i32, %arg1: i32, %arg2: memref<32x106x128xi32, #tpu.memory_space<hbm>>, %arg3: memref<32x106x128xi32, #tpu.memory_space<hbm>>, %arg4: memref<10000x128xf32, #tpu.memory_space<hbm>>, %arg5: memref<20480x128xf32, #tpu.memory_space<hbm>>, %arg6: memref<128xi32, #tpu.memory_space<vmem>>, %arg7: memref<128xi32, #tpu.memory_space<vmem>>, %arg8: memref<128x128xf32, #tpu.memory_space<vmem>>, %arg9: memref<10240x128xf32, #tpu.memory_space<vmem_shared>>, %arg10: memref<!tpu.dma_semaphore, #tpu.memory_space<semaphore_mem>>) attributes {dimension_semantics = [#tpu.dimension_semantics<core_parallel>, #tpu.dimension_semantics<subcore_parallel>], iteration_bounds = array<i64: 2, 16>, scalar_prefetch = 0 : i64, scratch_operands = 5 : i64, tpu.core_type = #tpu.core_type<sc_vector_subcore>, window_params = [{transform_indices = #map}, {transform_indices = #map}, {transform_indices = #map1}, {transform_indices = #map1}]} {
    %mul3A = arith.constant 16 : i32
    %mul3A_0 = arith.muli %arg0, %mul3A : i32
    %add3A = arith.addi %mul3A_0, %arg1 : i32
    %mul3A_1 = arith.constant 640 : i32
    %mul3A_2 = arith.muli %arg1, %mul3A_1 : i32
    %scan3A = arith.constant 0 : i32
    %scan3A_3 = arith.constant 0 : i32
    %scan3A_4 = arith.constant 128 : i32
    %scan3A_5 = arith.addi %scan3A_3, %scan3A_4 : i32
    %scan3A_6 = arith.constant 1 : i32
    scf.for %scan3A_33 = %scan3A_3 to %scan3A_5 step %scan3A_6  : i32 {
      %scan3A_34 = arith.constant 0 : i32
      %scan3A_35 = arith.constant 8 : i32
      %scan3A_36 = arith.addi %scan3A_34, %scan3A_35 : i32
      %scan3A_37 = arith.constant 1 : i32
      scf.for %scan3A_39 = %scan3A_34 to %scan3A_36 step %scan3A_37  : i32 {
        %broadcast_in_dim3A = arith.constant 0.000000e+00 : f32
        %broadcast_in_dim3A_40 = vector.broadcast %broadcast_in_dim3A : f32 to vector<16xf32>
        %mul3A_41 = arith.constant 16 : i32
        %mul3A_42 = arith.muli %scan3A_39, %mul3A_41 : i32
        %swap3A = arith.index_cast %scan3A_33 : i32 to index
        %swap3A_43 = arith.index_cast %mul3A_42 : i32 to index
        %swap3A_44 = tpu.vector_load %arg8[%swap3A, %swap3A_43] {strides = array<i32>} : memref<128x128xf32, #tpu.memory_space<vmem>>, vector<1x16xf32>,
        %swap3A_45 = vector.shape_cast %swap3A_44 : vector<1x16xf32> to vector<16xf32>
        %swap3A_46 = vector.shape_cast %broadcast_in_dim3A_40 : vector<16xf32> to vector<1x16xf32>
        tpu.vector_store %arg8[%swap3A, %swap3A_43], %swap3A_46 {strides = array<i32>} : memref<128x128xf32, #tpu.memory_space<vmem>>, vector<1x16xf32>,
      }
      %scan3A_38 = arith.constant 8 : i32
    }
    %scan3A_7 = arith.constant 128 : i32
    %add3A_8 = arith.constant 0 : i32
    %add3A_9 = arith.addi %mul3A_2, %add3A_8 : i32
    "tpu.region"() ({
      %run_scoped3A = tpu.sem_alloc : memref<!tpu.dma_semaphore, #tpu.memory_space<semaphore_mem>>
      %dma_start3A = arith.constant 0 : i32
      %dma_start3A_33 = tpu.memref_slice %arg9[%add3A_9, %dma_start3A] : memref<10240x128xf32, #tpu.memory_space<vmem_shared>> -> memref<128x128xf32, #tpu.memory_space<vmem_shared>>
      %dma_start3A_34 = arith.constant 0 : i32
      %dma_start3A_35 = tpu.memref_slice %arg9[%add3A_9, %dma_start3A_34] : memref<10240x128xf32, #tpu.memory_space<vmem_shared>> -> memref<128x128xf32, #tpu.memory_space<vmem_shared>>
      tpu.enqueue_dma source(%arg8 : memref<128x128xf32, #tpu.memory_space<vmem>>) target(%dma_start3A_35 : memref<128x128xf32, #tpu.memory_space<vmem_shared>>) target_semaphore(%run_scoped3A : memref<!tpu.dma_semaphore, #tpu.memory_space<semaphore_mem>>)
      %dma_wait3A = arith.constant 0 : i32
      %dma_wait3A_36 = tpu.memref_slice %arg9[%add3A_9, %dma_wait3A] : memref<10240x128xf32, #tpu.memory_space<vmem_shared>> -> memref<128x128xf32, #tpu.memory_space<vmem_shared>>
      %dma_wait3A_37 = arith.constant 0 : i32
      %dma_wait3A_38 = tpu.memref_slice %arg9[%add3A_9, %dma_wait3A_37] : memref<10240x128xf32, #tpu.memory_space<vmem_shared>> -> memref<128x128xf32, #tpu.memory_space<vmem_shared>>
      tpu.wait_dma2 semaphore(%run_scoped3A : memref<!tpu.dma_semaphore, #tpu.memory_space<semaphore_mem>>) src(%arg8 : memref<128x128xf32, #tpu.memory_space<vmem>>) dst(%dma_wait3A_38 : memref<128x128xf32, #tpu.memory_space<vmem_shared>>)
      tpu.yield
    }) : () -> ()
    %add3A_10 = arith.constant 128 : i32
    %add3A_11 = arith.addi %mul3A_2, %add3A_10 : i32
    "tpu.region"() ({
      %run_scoped3A = tpu.sem_alloc : memref<!tpu.dma_semaphore, #tpu.memory_space<semaphore_mem>>
      %dma_start3A = arith.constant 0 : i32
      %dma_start3A_33 = tpu.memref_slice %arg9[%add3A_11, %dma_start3A] : memref<10240x128xf32, #tpu.memory_space<vmem_shared>> -> memref<128x128xf32, #tpu.memory_space<vmem_shared>>
      %dma_start3A_34 = arith.constant 0 : i32
      %dma_start3A_35 = tpu.memref_slice %arg9[%add3A_11, %dma_start3A_34] : memref<10240x128xf32, #tpu.memory_space<vmem_shared>> -> memref<128x128xf32, #tpu.memory_space<vmem_shared>>
      tpu.enqueue_dma source(%arg8 : memref<128x128xf32, #tpu.memory_space<vmem>>) target(%dma_start3A_35 : memref<128x128xf32, #tpu.memory_space<vmem_shared>>) target_semaphore(%run_scoped3A : memref<!tpu.dma_semaphore, #tpu.memory_space<semaphore_mem>>)
      %dma_wait3A = arith.constant 0 : i32
      %dma_wait3A_36 = tpu.memref_slice %arg9[%add3A_11, %dma_wait3A] : memref<10240x128xf32, #tpu.memory_space<vmem_shared>> -> memref<128x128xf32, #tpu.memory_space<vmem_shared>>
      %dma_wait3A_37 = arith.constant 0 : i32
      %dma_wait3A_38 = tpu.memref_slice %arg9[%add3A_11, %dma_wait3A_37] : memref<10240x128xf32, #tpu.memory_space<vmem_shared>> -> memref<128x128xf32, #tpu.memory_space<vmem_shared>>
      tpu.wait_dma2 semaphore(%run_scoped3A : memref<!tpu.dma_semaphore, #tpu.memory_space<semaphore_mem>>) src(%arg8 : memref<128x128xf32, #tpu.memory_space<vmem>>) dst(%dma_wait3A_38 : memref<128x128xf32, #tpu.memory_space<vmem_shared>>)
      tpu.yield
    }) : () -> ()
    %add3A_12 = arith.constant 256 : i32
    %add3A_13 = arith.addi %mul3A_2, %add3A_12 : i32
    "tpu.region"() ({
      %run_scoped3A = tpu.sem_alloc : memref<!tpu.dma_semaphore, #tpu.memory_space<semaphore_mem>>
      %dma_start3A = arith.constant 0 : i32
      %dma_start3A_33 = tpu.memref_slice %arg9[%add3A_13, %dma_start3A] : memref<10240x128xf32, #tpu.memory_space<vmem_shared>> -> memref<128x128xf32, #tpu.memory_space<vmem_shared>>
      %dma_start3A_34 = arith.constant 0 : i32
      %dma_start3A_35 = tpu.memref_slice %arg9[%add3A_13, %dma_start3A_34] : memref<10240x128xf32, #tpu.memory_space<vmem_shared>> -> memref<128x128xf32, #tpu.memory_space<vmem_shared>>
      tpu.enqueue_dma source(%arg8 : memref<128x128xf32, #tpu.memory_space<vmem>>) target(%dma_start3A_35 : memref<128x128xf32, #tpu.memory_space<vmem_shared>>) target_semaphore(%run_scoped3A : memref<!tpu.dma_semaphore, #tpu.memory_space<semaphore_mem>>)
      %dma_wait3A = arith.constant 0 : i32
      %dma_wait3A_36 = tpu.memref_slice %arg9[%add3A_13, %dma_wait3A] : memref<10240x128xf32, #tpu.memory_space<vmem_shared>> -> memref<128x128xf32, #tpu.memory_space<vmem_shared>>
      %dma_wait3A_37 = arith.constant 0 : i32
      %dma_wait3A_38 = tpu.memref_slice %arg9[%add3A_13, %dma_wait3A_37] : memref<10240x128xf32, #tpu.memory_space<vmem_shared>> -> memref<128x128xf32, #tpu.memory_space<vmem_shared>>
      tpu.wait_dma2 semaphore(%run_scoped3A : memref<!tpu.dma_semaphore, #tpu.memory_space<semaphore_mem>>) src(%arg8 : memref<128x128xf32, #tpu.memory_space<vmem>>) dst(%dma_wait3A_38 : memref<128x128xf32, #tpu.memory_space<vmem_shared>>)
      tpu.yield
    }) : () -> ()
    %add3A_14 = arith.constant 384 : i32
    %add3A_15 = arith.addi %mul3A_2, %add3A_14 : i32
    "tpu.region"() ({
      %run_scoped3A = tpu.sem_alloc : memref<!tpu.dma_semaphore, #tpu.memory_space<semaphore_mem>>
      %dma_start3A = arith.constant 0 : i32
      %dma_start3A_33 = tpu.memref_slice %arg9[%add3A_15, %dma_start3A] : memref<10240x128xf32, #tpu.memory_space<vmem_shared>> -> memref<128x128xf32, #tpu.memory_space<vmem_shared>>
      %dma_start3A_34 = arith.constant 0 : i32
      %dma_start3A_35 = tpu.memref_slice %arg9[%add3A_15, %dma_start3A_34] : memref<10240x128xf32, #tpu.memory_space<vmem_shared>> -> memref<128x128xf32, #tpu.memory_space<vmem_shared>>
      tpu.enqueue_dma source(%arg8 : memref<128x128xf32, #tpu.memory_space<vmem>>) target(%dma_start3A_35 : memref<128x128xf32, #tpu.memory_space<vmem_shared>>) target_semaphore(%run_scoped3A : memref<!tpu.dma_semaphore, #tpu.memory_space<semaphore_mem>>)
      %dma_wait3A = arith.constant 0 : i32
      %dma_wait3A_36 = tpu.memref_slice %arg9[%add3A_15, %dma_wait3A] : memref<10240x128xf32, #tpu.memory_space<vmem_shared>> -> memref<128x128xf32, #tpu.memory_space<vmem_shared>>
      %dma_wait3A_37 = arith.constant 0 : i32
      %dma_wait3A_38 = tpu.memref_slice %arg9[%add3A_15, %dma_wait3A_37] : memref<10240x128xf32, #tpu.memory_space<vmem_shared>> -> memref<128x128xf32, #tpu.memory_space<vmem_shared>>
      tpu.wait_dma2 semaphore(%run_scoped3A : memref<!tpu.dma_semaphore, #tpu.memory_space<semaphore_mem>>) src(%arg8 : memref<128x128xf32, #tpu.memory_space<vmem>>) dst(%dma_wait3A_38 : memref<128x128xf32, #tpu.memory_space<vmem_shared>>)
      tpu.yield
    }) : () -> ()
    %add3A_16 = arith.constant 512 : i32
    %add3A_17 = arith.addi %mul3A_2, %add3A_16 : i32
    "tpu.region"() ({
      %run_scoped3A = tpu.sem_alloc : memref<!tpu.dma_semaphore, #tpu.memory_space<semaphore_mem>>
      %dma_start3A = arith.constant 0 : i32
      %dma_start3A_33 = tpu.memref_slice %arg9[%add3A_17, %dma_start3A] : memref<10240x128xf32, #tpu.memory_space<vmem_shared>> -> memref<128x128xf32, #tpu.memory_space<vmem_shared>>
      %dma_start3A_34 = arith.constant 0 : i32
      %dma_start3A_35 = tpu.memref_slice %arg9[%add3A_17, %dma_start3A_34] : memref<10240x128xf32, #tpu.memory_space<vmem_shared>> -> memref<128x128xf32, #tpu.memory_space<vmem_shared>>
      tpu.enqueue_dma source(%arg8 : memref<128x128xf32, #tpu.memory_space<vmem>>) target(%dma_start3A_35 : memref<128x128xf32, #tpu.memory_space<vmem_shared>>) target_semaphore(%run_scoped3A : memref<!tpu.dma_semaphore, #tpu.memory_space<semaphore_mem>>)
      %dma_wait3A = arith.constant 0 : i32
      %dma_wait3A_36 = tpu.memref_slice %arg9[%add3A_17, %dma_wait3A] : memref<10240x128xf32, #tpu.memory_space<vmem_shared>> -> memref<128x128xf32, #tpu.memory_space<vmem_shared>>
      %dma_wait3A_37 = arith.constant 0 : i32
      %dma_wait3A_38 = tpu.memref_slice %arg9[%add3A_17, %dma_wait3A_37] : memref<10240x128xf32, #tpu.memory_space<vmem_shared>> -> memref<128x128xf32, #tpu.memory_space<vmem_shared>>
      tpu.wait_dma2 semaphore(%run_scoped3A : memref<!tpu.dma_semaphore, #tpu.memory_space<semaphore_mem>>) src(%arg8 : memref<128x128xf32, #tpu.memory_space<vmem>>) dst(%dma_wait3A_38 : memref<128x128xf32, #tpu.memory_space<vmem_shared>>)
      tpu.yield
    }) : () -> ()
    %barrier3A = arith.constant 0 : index
    tpu.barrier barrier_id(%barrier3A)
    %eq3A = arith.constant 0 : i32
    %eq3A_18 = arith.cmpi eq, %arg0, %eq3A : i32
    %jit3A = arith.constant 106 : i32
    %jit3A_19 = arith.constant 51 : i32
    %select_n3A = arith.select %eq3A_18, %jit3A, %jit3A_19 : i32
    %while3A = arith.constant 0 : i32
    %while3A_20 = arith.constant 0 : i32
    %while3A_21 = arith.subi %select_n3A, %while3A_20 : i32
    %while3A_22 = arith.addi %while3A_20, %while3A_21 : i32
    %while3A_23 = arith.constant 1 : i32
    %while3A_24 = arith.divsi %while3A_21, %while3A_23 : i32
    %while3A_25 = arith.muli %while3A_24, %while3A_23 : i32
    %while3A_26 = arith.addi %while3A_20, %while3A_25 : i32
    %while3A_27 = arith.constant 1 : i32
    scf.for %while3A_33 = %while3A_20 to %while3A_26 step %while3A_27  : i32 {
      "tpu.region"() ({
        %run_scoped3A = tpu.sem_alloc : memref<!tpu.dma_semaphore, #tpu.memory_space<semaphore_mem>>
        %dma_start3A_38 = arith.constant 0 : i32
        %dma_start3A_39 = tpu.memref_slice %arg2[%add3A, %while3A_33, %dma_start3A_38] : memref<32x106x128xi32, #tpu.memory_space<hbm>> -> memref<1x1x128xi32, #tpu.memory_space<hbm>>
        %dma_start3A_40 = tpu.memref_squeeze %dma_start3A_39 : memref<1x1x128xi32, #tpu.memory_space<hbm>> -> memref<128xi32, #tpu.memory_space<hbm>>
        %dma_start3A_41 = arith.constant 0 : i32
        %dma_start3A_42 = tpu.memref_slice %arg2[%add3A, %while3A_33, %dma_start3A_41] : memref<32x106x128xi32, #tpu.memory_space<hbm>> -> memref<1x1x128xi32, #tpu.memory_space<hbm>>
        %dma_start3A_43 = tpu.memref_squeeze %dma_start3A_42 : memref<1x1x128xi32, #tpu.memory_space<hbm>> -> memref<128xi32, #tpu.memory_space<hbm>>
        tpu.enqueue_dma source(%dma_start3A_43 : memref<128xi32, #tpu.memory_space<hbm>>) target(%arg6 : memref<128xi32, #tpu.memory_space<vmem>>) target_semaphore(%run_scoped3A : memref<!tpu.dma_semaphore, #tpu.memory_space<semaphore_mem>>)
        %dma_wait3A_44 = arith.constant 0 : i32
        %dma_wait3A_45 = tpu.memref_slice %arg2[%add3A, %while3A_33, %dma_wait3A_44] : memref<32x106x128xi32, #tpu.memory_space<hbm>> -> memref<1x1x128xi32, #tpu.memory_space<hbm>>
        %dma_wait3A_46 = tpu.memref_squeeze %dma_wait3A_45 : memref<1x1x128xi32, #tpu.memory_space<hbm>> -> memref<128xi32, #tpu.memory_space<hbm>>
        %dma_wait3A_47 = arith.constant 0 : i32
        %dma_wait3A_48 = tpu.memref_slice %arg2[%add3A, %while3A_33, %dma_wait3A_47] : memref<32x106x128xi32, #tpu.memory_space<hbm>> -> memref<1x1x128xi32, #tpu.memory_space<hbm>>
        %dma_wait3A_49 = tpu.memref_squeeze %dma_wait3A_48 : memref<1x1x128xi32, #tpu.memory_space<hbm>> -> memref<128xi32, #tpu.memory_space<hbm>>
        tpu.wait_dma2 semaphore(%run_scoped3A : memref<!tpu.dma_semaphore, #tpu.memory_space<semaphore_mem>>) src(%dma_wait3A_49 : memref<128xi32, #tpu.memory_space<hbm>>) dst(%arg6 : memref<128xi32, #tpu.memory_space<vmem>>)
        tpu.yield
      }) : () -> ()
      "tpu.region"() ({
        %run_scoped3A = tpu.sem_alloc : memref<!tpu.dma_semaphore, #tpu.memory_space<semaphore_mem>>
        %dma_start3A_38 = arith.constant 0 : i32
        %dma_start3A_39 = tpu.memref_slice %arg3[%add3A, %while3A_33, %dma_start3A_38] : memref<32x106x128xi32, #tpu.memory_space<hbm>> -> memref<1x1x128xi32, #tpu.memory_space<hbm>>
        %dma_start3A_40 = tpu.memref_squeeze %dma_start3A_39 : memref<1x1x128xi32, #tpu.memory_space<hbm>> -> memref<128xi32, #tpu.memory_space<hbm>>
        %dma_start3A_41 = arith.constant 0 : i32
        %dma_start3A_42 = tpu.memref_slice %arg3[%add3A, %while3A_33, %dma_start3A_41] : memref<32x106x128xi32, #tpu.memory_space<hbm>> -> memref<1x1x128xi32, #tpu.memory_space<hbm>>
        %dma_start3A_43 = tpu.memref_squeeze %dma_start3A_42 : memref<1x1x128xi32, #tpu.memory_space<hbm>> -> memref<128xi32, #tpu.memory_space<hbm>>
        tpu.enqueue_dma source(%dma_start3A_43 : memref<128xi32, #tpu.memory_space<hbm>>) target(%arg7 : memref<128xi32, #tpu.memory_space<vmem>>) target_semaphore(%run_scoped3A : memref<!tpu.dma_semaphore, #tpu.memory_space<semaphore_mem>>)
        %dma_wait3A_44 = arith.constant 0 : i32
        %dma_wait3A_45 = tpu.memref_slice %arg3[%add3A, %while3A_33, %dma_wait3A_44] : memref<32x106x128xi32, #tpu.memory_space<hbm>> -> memref<1x1x128xi32, #tpu.memory_space<hbm>>
        %dma_wait3A_46 = tpu.memref_squeeze %dma_wait3A_45 : memref<1x1x128xi32, #tpu.memory_space<hbm>> -> memref<128xi32, #tpu.memory_space<hbm>>
        %dma_wait3A_47 = arith.constant 0 : i32
        %dma_wait3A_48 = tpu.memref_slice %arg3[%add3A, %while3A_33, %dma_wait3A_47] : memref<32x106x128xi32, #tpu.memory_space<hbm>> -> memref<1x1x128xi32, #tpu.memory_space<hbm>>
        %dma_wait3A_49 = tpu.memref_squeeze %dma_wait3A_48 : memref<1x1x128xi32, #tpu.memory_space<hbm>> -> memref<128xi32, #tpu.memory_space<hbm>>
        tpu.wait_dma2 semaphore(%run_scoped3A : memref<!tpu.dma_semaphore, #tpu.memory_space<semaphore_mem>>) src(%dma_wait3A_49 : memref<128xi32, #tpu.memory_space<hbm>>) dst(%arg7 : memref<128xi32, #tpu.memory_space<vmem>>)
        tpu.yield
      }) : () -> ()
      %dma_start3A = arith.constant 0 : i32
      %dma_start3A_34 = arith.constant 0 : i32
      %dma_start3A_35 = tpu.memref_slice %arg4[%dma_start3A, %dma_start3A_34] : memref<10000x128xf32, #tpu.memory_space<hbm>> -> memref<10000x128xf32, #tpu.memory_space<hbm>>
      tpu.enqueue_indirect_dma source(%dma_start3A_35 : memref<10000x128xf32, #tpu.memory_space<hbm>>) target(%arg8 : memref<128x128xf32, #tpu.memory_space<vmem>>) offsets(%arg6 : memref<128xi32, #tpu.memory_space<vmem>>) semaphore(%arg10 : memref<!tpu.dma_semaphore, #tpu.memory_space<semaphore_mem>>)
      %dma_wait3A = arith.constant 0 : i32
      %dma_wait3A_36 = arith.constant 0 : i32
      %dma_wait3A_37 = tpu.memref_slice %arg4[%dma_wait3A, %dma_wait3A_36] : memref<10000x128xf32, #tpu.memory_space<hbm>> -> memref<10000x128xf32, #tpu.memory_space<hbm>>
      tpu.wait_indirect_dma semaphore(%arg10 : memref<!tpu.dma_semaphore, #tpu.memory_space<semaphore_mem>>) src(%dma_wait3A_37 : memref<10000x128xf32, #tpu.memory_space<hbm>>) dst(%arg8 : memref<128x128xf32, #tpu.memory_space<vmem>>)
      "tpu.region"() ({
        %run_scoped3A = tpu.sem_alloc : memref<!tpu.dma_semaphore, #tpu.memory_space<semaphore_mem>>
        %dma_start3A_38 = arith.constant 0 : i32
        %dma_start3A_39 = arith.constant 0 : i32
        %dma_start3A_40 = tpu.memref_slice %arg9[%dma_start3A_38, %dma_start3A_39] : memref<10240x128xf32, #tpu.memory_space<vmem_shared>> -> memref<10240x128xf32, #tpu.memory_space<vmem_shared>>
        tpu.enqueue_indirect_dma source(%arg8 : memref<128x128xf32, #tpu.memory_space<vmem>>) target(%dma_start3A_40 : memref<10240x128xf32, #tpu.memory_space<vmem_shared>>) offsets(%arg7 : memref<128xi32, #tpu.memory_space<vmem>>) semaphore(%run_scoped3A : memref<!tpu.dma_semaphore, #tpu.memory_space<semaphore_mem>>) {add = true}
        %dma_wait3A_41 = arith.constant 0 : i32
        %dma_wait3A_42 = arith.constant 0 : i32
        %dma_wait3A_43 = tpu.memref_slice %arg9[%dma_wait3A_41, %dma_wait3A_42] : memref<10240x128xf32, #tpu.memory_space<vmem_shared>> -> memref<10240x128xf32, #tpu.memory_space<vmem_shared>>
        tpu.wait_indirect_dma semaphore(%run_scoped3A : memref<!tpu.dma_semaphore, #tpu.memory_space<semaphore_mem>>) src(%arg8 : memref<128x128xf32, #tpu.memory_space<vmem>>) dst(%dma_wait3A_43 : memref<10240x128xf32, #tpu.memory_space<vmem_shared>>)
        tpu.yield
      }) : () -> ()
    }
    %while3A_28 = arith.constant 1 : i32
    scf.for %while3A_33 = %while3A_26 to %while3A_22 step %while3A_28  : i32 {
      "tpu.region"() ({
        %run_scoped3A = tpu.sem_alloc : memref<!tpu.dma_semaphore, #tpu.memory_space<semaphore_mem>>
        %dma_start3A_38 = arith.constant 0 : i32
        %dma_start3A_39 = tpu.memref_slice %arg2[%add3A, %while3A_33, %dma_start3A_38] : memref<32x106x128xi32, #tpu.memory_space<hbm>> -> memref<1x1x128xi32, #tpu.memory_space<hbm>>
        %dma_start3A_40 = tpu.memref_squeeze %dma_start3A_39 : memref<1x1x128xi32, #tpu.memory_space<hbm>> -> memref<128xi32, #tpu.memory_space<hbm>>
        %dma_start3A_41 = arith.constant 0 : i32
        %dma_start3A_42 = tpu.memref_slice %arg2[%add3A, %while3A_33, %dma_start3A_41] : memref<32x106x128xi32, #tpu.memory_space<hbm>> -> memref<1x1x128xi32, #tpu.memory_space<hbm>>
        %dma_start3A_43 = tpu.memref_squeeze %dma_start3A_42 : memref<1x1x128xi32, #tpu.memory_space<hbm>> -> memref<128xi32, #tpu.memory_space<hbm>>
        tpu.enqueue_dma source(%dma_start3A_43 : memref<128xi32, #tpu.memory_space<hbm>>) target(%arg6 : memref<128xi32, #tpu.memory_space<vmem>>) target_semaphore(%run_scoped3A : memref<!tpu.dma_semaphore, #tpu.memory_space<semaphore_mem>>)
        %dma_wait3A_44 = arith.constant 0 : i32
        %dma_wait3A_45 = tpu.memref_slice %arg2[%add3A, %while3A_33, %dma_wait3A_44] : memref<32x106x128xi32, #tpu.memory_space<hbm>> -> memref<1x1x128xi32, #tpu.memory_space<hbm>>
        %dma_wait3A_46 = tpu.memref_squeeze %dma_wait3A_45 : memref<1x1x128xi32, #tpu.memory_space<hbm>> -> memref<128xi32, #tpu.memory_space<hbm>>
        %dma_wait3A_47 = arith.constant 0 : i32
        %dma_wait3A_48 = tpu.memref_slice %arg2[%add3A, %while3A_33, %dma_wait3A_47] : memref<32x106x128xi32, #tpu.memory_space<hbm>> -> memref<1x1x128xi32, #tpu.memory_space<hbm>>
        %dma_wait3A_49 = tpu.memref_squeeze %dma_wait3A_48 : memref<1x1x128xi32, #tpu.memory_space<hbm>> -> memref<128xi32, #tpu.memory_space<hbm>>
        tpu.wait_dma2 semaphore(%run_scoped3A : memref<!tpu.dma_semaphore, #tpu.memory_space<semaphore_mem>>) src(%dma_wait3A_49 : memref<128xi32, #tpu.memory_space<hbm>>) dst(%arg6 : memref<128xi32, #tpu.memory_space<vmem>>)
        tpu.yield
      }) : () -> ()
      "tpu.region"() ({
        %run_scoped3A = tpu.sem_alloc : memref<!tpu.dma_semaphore, #tpu.memory_space<semaphore_mem>>
        %dma_start3A_38 = arith.constant 0 : i32
        %dma_start3A_39 = tpu.memref_slice %arg3[%add3A, %while3A_33, %dma_start3A_38] : memref<32x106x128xi32, #tpu.memory_space<hbm>> -> memref<1x1x128xi32, #tpu.memory_space<hbm>>
        %dma_start3A_40 = tpu.memref_squeeze %dma_start3A_39 : memref<1x1x128xi32, #tpu.memory_space<hbm>> -> memref<128xi32, #tpu.memory_space<hbm>>
        %dma_start3A_41 = arith.constant 0 : i32
        %dma_start3A_42 = tpu.memref_slice %arg3[%add3A, %while3A_33, %dma_start3A_41] : memref<32x106x128xi32, #tpu.memory_space<hbm>> -> memref<1x1x128xi32, #tpu.memory_space<hbm>>
        %dma_start3A_43 = tpu.memref_squeeze %dma_start3A_42 : memref<1x1x128xi32, #tpu.memory_space<hbm>> -> memref<128xi32, #tpu.memory_space<hbm>>
        tpu.enqueue_dma source(%dma_start3A_43 : memref<128xi32, #tpu.memory_space<hbm>>) target(%arg7 : memref<128xi32, #tpu.memory_space<vmem>>) target_semaphore(%run_scoped3A : memref<!tpu.dma_semaphore, #tpu.memory_space<semaphore_mem>>)
        %dma_wait3A_44 = arith.constant 0 : i32
        %dma_wait3A_45 = tpu.memref_slice %arg3[%add3A, %while3A_33, %dma_wait3A_44] : memref<32x106x128xi32, #tpu.memory_space<hbm>> -> memref<1x1x128xi32, #tpu.memory_space<hbm>>
        %dma_wait3A_46 = tpu.memref_squeeze %dma_wait3A_45 : memref<1x1x128xi32, #tpu.memory_space<hbm>> -> memref<128xi32, #tpu.memory_space<hbm>>
        %dma_wait3A_47 = arith.constant 0 : i32
        %dma_wait3A_48 = tpu.memref_slice %arg3[%add3A, %while3A_33, %dma_wait3A_47] : memref<32x106x128xi32, #tpu.memory_space<hbm>> -> memref<1x1x128xi32, #tpu.memory_space<hbm>>
        %dma_wait3A_49 = tpu.memref_squeeze %dma_wait3A_48 : memref<1x1x128xi32, #tpu.memory_space<hbm>> -> memref<128xi32, #tpu.memory_space<hbm>>
        tpu.wait_dma2 semaphore(%run_scoped3A : memref<!tpu.dma_semaphore, #tpu.memory_space<semaphore_mem>>) src(%dma_wait3A_49 : memref<128xi32, #tpu.memory_space<hbm>>) dst(%arg7 : memref<128xi32, #tpu.memory_space<vmem>>)
        tpu.yield
      }) : () -> ()
      %dma_start3A = arith.constant 0 : i32
      %dma_start3A_34 = arith.constant 0 : i32
      %dma_start3A_35 = tpu.memref_slice %arg4[%dma_start3A, %dma_start3A_34] : memref<10000x128xf32, #tpu.memory_space<hbm>> -> memref<10000x128xf32, #tpu.memory_space<hbm>>
      tpu.enqueue_indirect_dma source(%dma_start3A_35 : memref<10000x128xf32, #tpu.memory_space<hbm>>) target(%arg8 : memref<128x128xf32, #tpu.memory_space<vmem>>) offsets(%arg6 : memref<128xi32, #tpu.memory_space<vmem>>) semaphore(%arg10 : memref<!tpu.dma_semaphore, #tpu.memory_space<semaphore_mem>>)
      %dma_wait3A = arith.constant 0 : i32
      %dma_wait3A_36 = arith.constant 0 : i32
      %dma_wait3A_37 = tpu.memref_slice %arg4[%dma_wait3A, %dma_wait3A_36] : memref<10000x128xf32, #tpu.memory_space<hbm>> -> memref<10000x128xf32, #tpu.memory_space<hbm>>
      tpu.wait_indirect_dma semaphore(%arg10 : memref<!tpu.dma_semaphore, #tpu.memory_space<semaphore_mem>>) src(%dma_wait3A_37 : memref<10000x128xf32, #tpu.memory_space<hbm>>) dst(%arg8 : memref<128x128xf32, #tpu.memory_space<vmem>>)
      "tpu.region"() ({
        %run_scoped3A = tpu.sem_alloc : memref<!tpu.dma_semaphore, #tpu.memory_space<semaphore_mem>>
        %dma_start3A_38 = arith.constant 0 : i32
        %dma_start3A_39 = arith.constant 0 : i32
        %dma_start3A_40 = tpu.memref_slice %arg9[%dma_start3A_38, %dma_start3A_39] : memref<10240x128xf32, #tpu.memory_space<vmem_shared>> -> memref<10240x128xf32, #tpu.memory_space<vmem_shared>>
        tpu.enqueue_indirect_dma source(%arg8 : memref<128x128xf32, #tpu.memory_space<vmem>>) target(%dma_start3A_40 : memref<10240x128xf32, #tpu.memory_space<vmem_shared>>) offsets(%arg7 : memref<128xi32, #tpu.memory_space<vmem>>) semaphore(%run_scoped3A : memref<!tpu.dma_semaphore, #tpu.memory_space<semaphore_mem>>) {add = true}
        %dma_wait3A_41 = arith.constant 0 : i32
        %dma_wait3A_42 = arith.constant 0 : i32
        %dma_wait3A_43 = tpu.memref_slice %arg9[%dma_wait3A_41, %dma_wait3A_42] : memref<10240x128xf32, #tpu.memory_space<vmem_shared>> -> memref<10240x128xf32, #tpu.memory_space<vmem_shared>>
        tpu.wait_indirect_dma semaphore(%run_scoped3A : memref<!tpu.dma_semaphore, #tpu.memory_space<semaphore_mem>>) src(%arg8 : memref<128x128xf32, #tpu.memory_space<vmem>>) dst(%dma_wait3A_43 : memref<10240x128xf32, #tpu.memory_space<vmem_shared>>)
        tpu.yield
      }) : () -> ()
    }
    %barrier3A_29 = arith.constant 0 : index
    tpu.barrier barrier_id(%barrier3A_29)
    %mul3A_30 = arith.constant 10240 : i32
    %mul3A_31 = arith.muli %arg0, %mul3A_30 : i32
    %add3A_32 = arith.addi %mul3A_31, %mul3A_2 : i32
    "tpu.region"() ({
      %run_scoped3A = tpu.sem_alloc : memref<!tpu.dma_semaphore, #tpu.memory_space<semaphore_mem>>
      %dma_start3A = arith.constant 0 : i32
      %dma_start3A_33 = tpu.memref_slice %arg5[%add3A_32, %dma_start3A] : memref<20480x128xf32, #tpu.memory_space<hbm>> -> memref<640x128xf32, #tpu.memory_space<hbm>>
      %dma_start3A_34 = arith.constant 0 : i32
      %dma_start3A_35 = tpu.memref_slice %arg9[%mul3A_2, %dma_start3A_34] : memref<10240x128xf32, #tpu.memory_space<vmem_shared>> -> memref<640x128xf32, #tpu.memory_space<vmem_shared>>
      tpu.enqueue_dma source(%dma_start3A_35 : memref<640x128xf32, #tpu.memory_space<vmem_shared>>) target(%dma_start3A_33 : memref<640x128xf32, #tpu.memory_space<hbm>>) target_semaphore(%run_scoped3A : memref<!tpu.dma_semaphore, #tpu.memory_space<semaphore_mem>>)
      %dma_wait3A = arith.constant 0 : i32
      %dma_wait3A_36 = tpu.memref_slice %arg5[%add3A_32, %dma_wait3A] : memref<20480x128xf32, #tpu.memory_space<hbm>> -> memref<640x128xf32, #tpu.memory_space<hbm>>
      %dma_wait3A_37 = arith.constant 0 : i32
      %dma_wait3A_38 = tpu.memref_slice %arg9[%mul3A_2, %dma_wait3A_37] : memref<10240x128xf32, #tpu.memory_space<vmem_shared>> -> memref<640x128xf32, #tpu.memory_space<vmem_shared>>
      tpu.wait_dma2 semaphore(%run_scoped3A : memref<!tpu.dma_semaphore, #tpu.memory_space<semaphore_mem>>) src(%dma_wait3A_38 : memref<640x128xf32, #tpu.memory_space<vmem_shared>>) dst(%dma_wait3A_36 : memref<640x128xf32, #tpu.memory_space<hbm>>)
      tpu.yield
    }) : () -> ()
    return
  }
}

#map = affine_map<(d0, d1) -> (0, 0, 0)>
#map1 = affine_map<(d0, d1) -> (0)>
module attributes {stable_mosaic.version = 14 : i64} {
  func.func @_deg_body(%arg0: i32, %arg1: i32, %arg2: memref<32x80x128xi32, #tpu.memory_space<hbm>>, %arg3: memref<20480xf32, #tpu.memory_space<hbm>>, %arg4: memref<80x128xi32, #tpu.memory_space<vmem>>, %arg5: memref<128xf32, #tpu.memory_space<vmem>>, %arg6: memref<640xf32, #tpu.memory_space<vmem>>, %arg7: memref<10240xf32, #tpu.memory_space<vmem_shared>>, %arg8: memref<!tpu.dma_semaphore, #tpu.memory_space<semaphore_mem>>) attributes {dimension_semantics = [#tpu.dimension_semantics<core_parallel>, #tpu.dimension_semantics<subcore_parallel>], iteration_bounds = array<i64: 2, 16>, scalar_prefetch = 0 : i64, scratch_operands = 5 : i64, tpu.core_type = #tpu.core_type<sc_vector_subcore>, window_params = [{transform_indices = #map}, {transform_indices = #map1}]} {
    %mul3A = arith.constant 16 : i32
    %mul3A_0 = arith.muli %arg0, %mul3A : i32
    %add3A = arith.addi %mul3A_0, %arg1 : i32
    "tpu.region"() ({
      %run_scoped3A = tpu.sem_alloc : memref<!tpu.dma_semaphore, #tpu.memory_space<semaphore_mem>>
      %dma_start3A = arith.constant 0 : i32
      %dma_start3A_68 = arith.constant 0 : i32
      %dma_start3A_69 = tpu.memref_slice %arg2[%add3A, %dma_start3A, %dma_start3A_68] : memref<32x80x128xi32, #tpu.memory_space<hbm>> -> memref<1x80x128xi32, #tpu.memory_space<hbm>>
      %dma_start3A_70 = tpu.memref_squeeze %dma_start3A_69 : memref<1x80x128xi32, #tpu.memory_space<hbm>> -> memref<80x128xi32, #tpu.memory_space<hbm>>
      %dma_start3A_71 = arith.constant 0 : i32
      %dma_start3A_72 = arith.constant 0 : i32
      %dma_start3A_73 = tpu.memref_slice %arg2[%add3A, %dma_start3A_71, %dma_start3A_72] : memref<32x80x128xi32, #tpu.memory_space<hbm>> -> memref<1x80x128xi32, #tpu.memory_space<hbm>>
      %dma_start3A_74 = tpu.memref_squeeze %dma_start3A_73 : memref<1x80x128xi32, #tpu.memory_space<hbm>> -> memref<80x128xi32, #tpu.memory_space<hbm>>
      tpu.enqueue_dma source(%dma_start3A_74 : memref<80x128xi32, #tpu.memory_space<hbm>>) target(%arg4 : memref<80x128xi32, #tpu.memory_space<vmem>>) target_semaphore(%run_scoped3A : memref<!tpu.dma_semaphore, #tpu.memory_space<semaphore_mem>>)
      %dma_wait3A = arith.constant 0 : i32
      %dma_wait3A_75 = arith.constant 0 : i32
      %dma_wait3A_76 = tpu.memref_slice %arg2[%add3A, %dma_wait3A, %dma_wait3A_75] : memref<32x80x128xi32, #tpu.memory_space<hbm>> -> memref<1x80x128xi32, #tpu.memory_space<hbm>>
      %dma_wait3A_77 = tpu.memref_squeeze %dma_wait3A_76 : memref<1x80x128xi32, #tpu.memory_space<hbm>> -> memref<80x128xi32, #tpu.memory_space<hbm>>
      %dma_wait3A_78 = arith.constant 0 : i32
      %dma_wait3A_79 = arith.constant 0 : i32
      %dma_wait3A_80 = tpu.memref_slice %arg2[%add3A, %dma_wait3A_78, %dma_wait3A_79] : memref<32x80x128xi32, #tpu.memory_space<hbm>> -> memref<1x80x128xi32, #tpu.memory_space<hbm>>
      %dma_wait3A_81 = tpu.memref_squeeze %dma_wait3A_80 : memref<1x80x128xi32, #tpu.memory_space<hbm>> -> memref<80x128xi32, #tpu.memory_space<hbm>>
      tpu.wait_dma2 semaphore(%run_scoped3A : memref<!tpu.dma_semaphore, #tpu.memory_space<semaphore_mem>>) src(%dma_wait3A_81 : memref<80x128xi32, #tpu.memory_space<hbm>>) dst(%arg4 : memref<80x128xi32, #tpu.memory_space<vmem>>)
      tpu.yield
    }) : () -> ()
    %broadcast_in_dim3A = arith.constant 1.000000e+00 : f32
    %broadcast_in_dim3A_1 = vector.broadcast %broadcast_in_dim3A : f32 to vector<16xf32>
    %swap3A = arith.constant 0 : index
    %swap3A_2 = tpu.vector_load %arg5[%swap3A] {strides = array<i32>} : memref<128xf32, #tpu.memory_space<vmem>>, vector<16xf32>,
    %swap3A_3 = vector.shape_cast %swap3A_2 : vector<16xf32> to vector<16xf32>
    %swap3A_4 = vector.shape_cast %broadcast_in_dim3A_1 : vector<16xf32> to vector<16xf32>
    tpu.vector_store %arg5[%swap3A], %swap3A_4 {strides = array<i32>} : memref<128xf32, #tpu.memory_space<vmem>>, vector<16xf32>,
    %broadcast_in_dim3A_5 = arith.constant 1.000000e+00 : f32
    %broadcast_in_dim3A_6 = vector.broadcast %broadcast_in_dim3A_5 : f32 to vector<16xf32>
    %swap3A_7 = arith.constant 16 : index
    %swap3A_8 = tpu.vector_load %arg5[%swap3A_7] {strides = array<i32>} : memref<128xf32, #tpu.memory_space<vmem>>, vector<16xf32>,
    %swap3A_9 = vector.shape_cast %swap3A_8 : vector<16xf32> to vector<16xf32>
    %swap3A_10 = vector.shape_cast %broadcast_in_dim3A_6 : vector<16xf32> to vector<16xf32>
    tpu.vector_store %arg5[%swap3A_7], %swap3A_10 {strides = array<i32>} : memref<128xf32, #tpu.memory_space<vmem>>, vector<16xf32>,
    %broadcast_in_dim3A_11 = arith.constant 1.000000e+00 : f32
    %broadcast_in_dim3A_12 = vector.broadcast %broadcast_in_dim3A_11 : f32 to vector<16xf32>
    %swap3A_13 = arith.constant 32 : index
    %swap3A_14 = tpu.vector_load %arg5[%swap3A_13] {strides = array<i32>} : memref<128xf32, #tpu.memory_space<vmem>>, vector<16xf32>,
    %swap3A_15 = vector.shape_cast %swap3A_14 : vector<16xf32> to vector<16xf32>
    %swap3A_16 = vector.shape_cast %broadcast_in_dim3A_12 : vector<16xf32> to vector<16xf32>
    tpu.vector_store %arg5[%swap3A_13], %swap3A_16 {strides = array<i32>} : memref<128xf32, #tpu.memory_space<vmem>>, vector<16xf32>,
    %broadcast_in_dim3A_17 = arith.constant 1.000000e+00 : f32
    %broadcast_in_dim3A_18 = vector.broadcast %broadcast_in_dim3A_17 : f32 to vector<16xf32>
    %swap3A_19 = arith.constant 48 : index
    %swap3A_20 = tpu.vector_load %arg5[%swap3A_19] {strides = array<i32>} : memref<128xf32, #tpu.memory_space<vmem>>, vector<16xf32>,
    %swap3A_21 = vector.shape_cast %swap3A_20 : vector<16xf32> to vector<16xf32>
    %swap3A_22 = vector.shape_cast %broadcast_in_dim3A_18 : vector<16xf32> to vector<16xf32>
    tpu.vector_store %arg5[%swap3A_19], %swap3A_22 {strides = array<i32>} : memref<128xf32, #tpu.memory_space<vmem>>, vector<16xf32>,
    %broadcast_in_dim3A_23 = arith.constant 1.000000e+00 : f32
    %broadcast_in_dim3A_24 = vector.broadcast %broadcast_in_dim3A_23 : f32 to vector<16xf32>
    %swap3A_25 = arith.constant 64 : index
    %swap3A_26 = tpu.vector_load %arg5[%swap3A_25] {strides = array<i32>} : memref<128xf32, #tpu.memory_space<vmem>>, vector<16xf32>,
    %swap3A_27 = vector.shape_cast %swap3A_26 : vector<16xf32> to vector<16xf32>
    %swap3A_28 = vector.shape_cast %broadcast_in_dim3A_24 : vector<16xf32> to vector<16xf32>
    tpu.vector_store %arg5[%swap3A_25], %swap3A_28 {strides = array<i32>} : memref<128xf32, #tpu.memory_space<vmem>>, vector<16xf32>,
    %broadcast_in_dim3A_29 = arith.constant 1.000000e+00 : f32
    %broadcast_in_dim3A_30 = vector.broadcast %broadcast_in_dim3A_29 : f32 to vector<16xf32>
    %swap3A_31 = arith.constant 80 : index
    %swap3A_32 = tpu.vector_load %arg5[%swap3A_31] {strides = array<i32>} : memref<128xf32, #tpu.memory_space<vmem>>, vector<16xf32>,
    %swap3A_33 = vector.shape_cast %swap3A_32 : vector<16xf32> to vector<16xf32>
    %swap3A_34 = vector.shape_cast %broadcast_in_dim3A_30 : vector<16xf32> to vector<16xf32>
    tpu.vector_store %arg5[%swap3A_31], %swap3A_34 {strides = array<i32>} : memref<128xf32, #tpu.memory_space<vmem>>, vector<16xf32>,
    %broadcast_in_dim3A_35 = arith.constant 1.000000e+00 : f32
    %broadcast_in_dim3A_36 = vector.broadcast %broadcast_in_dim3A_35 : f32 to vector<16xf32>
    %swap3A_37 = arith.constant 96 : index
    %swap3A_38 = tpu.vector_load %arg5[%swap3A_37] {strides = array<i32>} : memref<128xf32, #tpu.memory_space<vmem>>, vector<16xf32>,
    %swap3A_39 = vector.shape_cast %swap3A_38 : vector<16xf32> to vector<16xf32>
    %swap3A_40 = vector.shape_cast %broadcast_in_dim3A_36 : vector<16xf32> to vector<16xf32>
    tpu.vector_store %arg5[%swap3A_37], %swap3A_40 {strides = array<i32>} : memref<128xf32, #tpu.memory_space<vmem>>, vector<16xf32>,
    %broadcast_in_dim3A_41 = arith.constant 1.000000e+00 : f32
    %broadcast_in_dim3A_42 = vector.broadcast %broadcast_in_dim3A_41 : f32 to vector<16xf32>
    %swap3A_43 = arith.constant 112 : index
    %swap3A_44 = tpu.vector_load %arg5[%swap3A_43] {strides = array<i32>} : memref<128xf32, #tpu.memory_space<vmem>>, vector<16xf32>,
    %swap3A_45 = vector.shape_cast %swap3A_44 : vector<16xf32> to vector<16xf32>
    %swap3A_46 = vector.shape_cast %broadcast_in_dim3A_42 : vector<16xf32> to vector<16xf32>
    tpu.vector_store %arg5[%swap3A_43], %swap3A_46 {strides = array<i32>} : memref<128xf32, #tpu.memory_space<vmem>>, vector<16xf32>,
    %scan3A = arith.constant 0 : i32
    %scan3A_47 = arith.constant 0 : i32
    %scan3A_48 = arith.constant 40 : i32
    %scan3A_49 = arith.addi %scan3A_47, %scan3A_48 : i32
    %scan3A_50 = arith.constant 1 : i32
    scf.for %scan3A_68 = %scan3A_47 to %scan3A_49 step %scan3A_50  : i32 {
      %broadcast_in_dim3A_69 = arith.constant 0.000000e+00 : f32
      %broadcast_in_dim3A_70 = vector.broadcast %broadcast_in_dim3A_69 : f32 to vector<16xf32>
      %mul3A_71 = arith.constant 16 : i32
      %mul3A_72 = arith.muli %scan3A_68, %mul3A_71 : i32
      %swap3A_73 = arith.index_cast %mul3A_72 : i32 to index
      %swap3A_74 = tpu.vector_load %arg6[%swap3A_73] {strides = array<i32>} : memref<640xf32, #tpu.memory_space<vmem>>, vector<16xf32>,
      %swap3A_75 = vector.shape_cast %swap3A_74 : vector<16xf32> to vector<16xf32>
      %swap3A_76 = vector.shape_cast %broadcast_in_dim3A_70 : vector<16xf32> to vector<16xf32>
      tpu.vector_store %arg6[%swap3A_73], %swap3A_76 {strides = array<i32>} : memref<640xf32, #tpu.memory_space<vmem>>, vector<16xf32>,
    }
    %scan3A_51 = arith.constant 40 : i32
    %mul3A_52 = arith.constant 640 : i32
    %mul3A_53 = arith.muli %arg1, %mul3A_52 : i32
    "tpu.region"() ({
      %run_scoped3A = tpu.sem_alloc : memref<!tpu.dma_semaphore, #tpu.memory_space<semaphore_mem>>
      %dma_start3A = tpu.memref_slice %arg7[%mul3A_53] : memref<10240xf32, #tpu.memory_space<vmem_shared>> -> memref<640xf32, #tpu.memory_space<vmem_shared>>
      %dma_start3A_68 = tpu.memref_slice %arg7[%mul3A_53] : memref<10240xf32, #tpu.memory_space<vmem_shared>> -> memref<640xf32, #tpu.memory_space<vmem_shared>>
      tpu.enqueue_dma source(%arg6 : memref<640xf32, #tpu.memory_space<vmem>>) target(%dma_start3A_68 : memref<640xf32, #tpu.memory_space<vmem_shared>>) target_semaphore(%run_scoped3A : memref<!tpu.dma_semaphore, #tpu.memory_space<semaphore_mem>>)
      %dma_wait3A = tpu.memref_slice %arg7[%mul3A_53] : memref<10240xf32, #tpu.memory_space<vmem_shared>> -> memref<640xf32, #tpu.memory_space<vmem_shared>>
      %dma_wait3A_69 = tpu.memref_slice %arg7[%mul3A_53] : memref<10240xf32, #tpu.memory_space<vmem_shared>> -> memref<640xf32, #tpu.memory_space<vmem_shared>>
      tpu.wait_dma2 semaphore(%run_scoped3A : memref<!tpu.dma_semaphore, #tpu.memory_space<semaphore_mem>>) src(%arg6 : memref<640xf32, #tpu.memory_space<vmem>>) dst(%dma_wait3A_69 : memref<640xf32, #tpu.memory_space<vmem_shared>>)
      tpu.yield
    }) : () -> ()
    %barrier3A = arith.constant 0 : index
    tpu.barrier barrier_id(%barrier3A)
    %scan3A_54 = arith.constant 0 : i32
    %scan3A_55 = arith.constant 0 : i32
    %scan3A_56 = arith.constant 5 : i32
    %scan3A_57 = arith.addi %scan3A_55, %scan3A_56 : i32
    %scan3A_58 = arith.constant 1 : i32
    scf.for %scan3A_68 = %scan3A_55 to %scan3A_57 step %scan3A_58  : i32 {
      %mul3A_69 = arith.constant 16 : i32
      %mul3A_70 = arith.muli %scan3A_68, %mul3A_69 : i32
      %scan3A_71 = arith.constant 0 : i32
      %scan3A_72 = arith.constant 0 : i32
      %scan3A_73 = arith.constant 16 : i32
      %scan3A_74 = arith.addi %scan3A_72, %scan3A_73 : i32
      %scan3A_75 = arith.constant 1 : i32
      scf.for %scan3A_83 = %scan3A_72 to %scan3A_74 step %scan3A_75  : i32 {
        %add3A_84 = arith.addi %mul3A_70, %scan3A_83 : i32
        %dma_start3A = arith.constant 0 : i32
        %dma_start3A_85 = tpu.memref_slice %arg4[%add3A_84, %dma_start3A] : memref<80x128xi32, #tpu.memory_space<vmem>> -> memref<1x128xi32, #tpu.memory_space<vmem>>
        %dma_start3A_86 = tpu.memref_squeeze %dma_start3A_85 : memref<1x128xi32, #tpu.memory_space<vmem>> -> memref<128xi32, #tpu.memory_space<vmem>>
        %dma_start3A_87 = arith.constant 0 : i32
        %dma_start3A_88 = tpu.memref_slice %arg7[%dma_start3A_87] : memref<10240xf32, #tpu.memory_space<vmem_shared>> -> memref<10240xf32, #tpu.memory_space<vmem_shared>>
        tpu.enqueue_indirect_dma source(%arg5 : memref<128xf32, #tpu.memory_space<vmem>>) target(%dma_start3A_88 : memref<10240xf32, #tpu.memory_space<vmem_shared>>) offsets(%dma_start3A_86 : memref<128xi32, #tpu.memory_space<vmem>>) semaphore(%arg8 : memref<!tpu.dma_semaphore, #tpu.memory_space<semaphore_mem>>) {add = true}
      }
      %scan3A_76 = arith.constant 16 : i32
      %scan3A_77 = arith.constant 0 : i32
      %scan3A_78 = arith.constant 0 : i32
      %scan3A_79 = arith.constant 16 : i32
      %scan3A_80 = arith.addi %scan3A_78, %scan3A_79 : i32
      %scan3A_81 = arith.constant 1 : i32
      scf.for %scan3A_83 = %scan3A_78 to %scan3A_80 step %scan3A_81  : i32 {
        %add3A_84 = arith.addi %mul3A_70, %scan3A_83 : i32
        %dma_wait3A = arith.constant 0 : i32
        %dma_wait3A_85 = tpu.memref_slice %arg4[%add3A_84, %dma_wait3A] : memref<80x128xi32, #tpu.memory_space<vmem>> -> memref<1x128xi32, #tpu.memory_space<vmem>>
        %dma_wait3A_86 = tpu.memref_squeeze %dma_wait3A_85 : memref<1x128xi32, #tpu.memory_space<vmem>> -> memref<128xi32, #tpu.memory_space<vmem>>
        %dma_wait3A_87 = arith.constant 0 : i32
        %dma_wait3A_88 = tpu.memref_slice %arg7[%dma_wait3A_87] : memref<10240xf32, #tpu.memory_space<vmem_shared>> -> memref<10240xf32, #tpu.memory_space<vmem_shared>>
        tpu.wait_indirect_dma semaphore(%arg8 : memref<!tpu.dma_semaphore, #tpu.memory_space<semaphore_mem>>) src(%arg5 : memref<128xf32, #tpu.memory_space<vmem>>) dst(%dma_wait3A_88 : memref<10240xf32, #tpu.memory_space<vmem_shared>>)
      }
      %scan3A_82 = arith.constant 16 : i32
    }
    %scan3A_59 = arith.constant 5 : i32
    %barrier3A_60 = arith.constant 0 : index
    tpu.barrier barrier_id(%barrier3A_60)
    %mul3A_61 = arith.constant 640 : i32
    %mul3A_62 = arith.muli %arg1, %mul3A_61 : i32
    %mul3A_63 = arith.constant 10240 : i32
    %mul3A_64 = arith.muli %arg0, %mul3A_63 : i32
    %mul3A_65 = arith.constant 640 : i32
    %mul3A_66 = arith.muli %arg1, %mul3A_65 : i32
    %add3A_67 = arith.addi %mul3A_64, %mul3A_66 : i32
    "tpu.region"() ({
      %run_scoped3A = tpu.sem_alloc : memref<!tpu.dma_semaphore, #tpu.memory_space<semaphore_mem>>
      %dma_start3A = tpu.memref_slice %arg3[%add3A_67] : memref<20480xf32, #tpu.memory_space<hbm>> -> memref<640xf32, #tpu.memory_space<hbm>>
      %dma_start3A_68 = tpu.memref_slice %arg7[%mul3A_62] : memref<10240xf32, #tpu.memory_space<vmem_shared>> -> memref<640xf32, #tpu.memory_space<vmem_shared>>
      tpu.enqueue_dma source(%dma_start3A_68 : memref<640xf32, #tpu.memory_space<vmem_shared>>) target(%dma_start3A : memref<640xf32, #tpu.memory_space<hbm>>) target_semaphore(%run_scoped3A : memref<!tpu.dma_semaphore, #tpu.memory_space<semaphore_mem>>)
      %dma_wait3A = tpu.memref_slice %arg3[%add3A_67] : memref<20480xf32, #tpu.memory_space<hbm>> -> memref<640xf32, #tpu.memory_space<hbm>>
      %dma_wait3A_69 = tpu.memref_slice %arg7[%mul3A_62] : memref<10240xf32, #tpu.memory_space<vmem_shared>> -> memref<640xf32, #tpu.memory_space<vmem_shared>>
      tpu.wait_dma2 semaphore(%run_scoped3A : memref<!tpu.dma_semaphore, #tpu.memory_space<semaphore_mem>>) src(%dma_wait3A_69 : memref<640xf32, #tpu.memory_space<vmem_shared>>) dst(%dma_wait3A : memref<640xf32, #tpu.memory_space<hbm>>)
      tpu.yield
    }) : () -> ()
    return
  }
}

#map = affine_map<(d0, d1) -> (0, 0, 0)>
#map1 = affine_map<(d0, d1) -> (0, 0)>
module attributes {stable_mosaic.version = 14 : i64} {
  func.func @_seg_body(%arg0: i32, %arg1: i32, %arg2: memref<32x106x128xi32, #tpu.memory_space<hbm>>, %arg3: memref<32x106x128xi32, #tpu.memory_space<hbm>>, %arg4: memref<10000x128xf32, #tpu.memory_space<hbm>>, %arg5: memref<20480x128xf32, #tpu.memory_space<hbm>>, %arg6: memref<128xi32, #tpu.memory_space<vmem>>, %arg7: memref<128xi32, #tpu.memory_space<vmem>>, %arg8: memref<128x128xf32, #tpu.memory_space<vmem>>, %arg9: memref<10240x128xf32, #tpu.memory_space<vmem_shared>>, %arg10: memref<!tpu.dma_semaphore, #tpu.memory_space<semaphore_mem>>) attributes {dimension_semantics = [#tpu.dimension_semantics<core_parallel>, #tpu.dimension_semantics<subcore_parallel>], iteration_bounds = array<i64: 2, 16>, scalar_prefetch = 0 : i64, scratch_operands = 5 : i64, tpu.core_type = #tpu.core_type<sc_vector_subcore>, window_params = [{transform_indices = #map}, {transform_indices = #map}, {transform_indices = #map1}, {transform_indices = #map1}]} {
    %mul3A = arith.constant 16 : i32
    %mul3A_0 = arith.muli %arg0, %mul3A : i32
    %add3A = arith.addi %mul3A_0, %arg1 : i32
    %mul3A_1 = arith.constant 640 : i32
    %mul3A_2 = arith.muli %arg1, %mul3A_1 : i32
    %scan3A = arith.constant 0 : i32
    %scan3A_3 = arith.constant 0 : i32
    %scan3A_4 = arith.constant 128 : i32
    %scan3A_5 = arith.addi %scan3A_3, %scan3A_4 : i32
    %scan3A_6 = arith.constant 1 : i32
    scf.for %scan3A_33 = %scan3A_3 to %scan3A_5 step %scan3A_6  : i32 {
      %scan3A_34 = arith.constant 0 : i32
      %scan3A_35 = arith.constant 8 : i32
      %scan3A_36 = arith.addi %scan3A_34, %scan3A_35 : i32
      %scan3A_37 = arith.constant 1 : i32
      scf.for %scan3A_39 = %scan3A_34 to %scan3A_36 step %scan3A_37  : i32 {
        %broadcast_in_dim3A = arith.constant 0.000000e+00 : f32
        %broadcast_in_dim3A_40 = vector.broadcast %broadcast_in_dim3A : f32 to vector<16xf32>
        %mul3A_41 = arith.constant 16 : i32
        %mul3A_42 = arith.muli %scan3A_39, %mul3A_41 : i32
        %swap3A = arith.index_cast %scan3A_33 : i32 to index
        %swap3A_43 = arith.index_cast %mul3A_42 : i32 to index
        %swap3A_44 = tpu.vector_load %arg8[%swap3A, %swap3A_43] {strides = array<i32>} : memref<128x128xf32, #tpu.memory_space<vmem>>, vector<1x16xf32>,
        %swap3A_45 = vector.shape_cast %swap3A_44 : vector<1x16xf32> to vector<16xf32>
        %swap3A_46 = vector.shape_cast %broadcast_in_dim3A_40 : vector<16xf32> to vector<1x16xf32>
        tpu.vector_store %arg8[%swap3A, %swap3A_43], %swap3A_46 {strides = array<i32>} : memref<128x128xf32, #tpu.memory_space<vmem>>, vector<1x16xf32>,
      }
      %scan3A_38 = arith.constant 8 : i32
    }
    %scan3A_7 = arith.constant 128 : i32
    %add3A_8 = arith.constant 0 : i32
    %add3A_9 = arith.addi %mul3A_2, %add3A_8 : i32
    "tpu.region"() ({
      %run_scoped3A = tpu.sem_alloc : memref<!tpu.dma_semaphore, #tpu.memory_space<semaphore_mem>>
      %dma_start3A = arith.constant 0 : i32
      %dma_start3A_33 = tpu.memref_slice %arg9[%add3A_9, %dma_start3A] : memref<10240x128xf32, #tpu.memory_space<vmem_shared>> -> memref<128x128xf32, #tpu.memory_space<vmem_shared>>
      %dma_start3A_34 = arith.constant 0 : i32
      %dma_start3A_35 = tpu.memref_slice %arg9[%add3A_9, %dma_start3A_34] : memref<10240x128xf32, #tpu.memory_space<vmem_shared>> -> memref<128x128xf32, #tpu.memory_space<vmem_shared>>
      tpu.enqueue_dma source(%arg8 : memref<128x128xf32, #tpu.memory_space<vmem>>) target(%dma_start3A_35 : memref<128x128xf32, #tpu.memory_space<vmem_shared>>) target_semaphore(%run_scoped3A : memref<!tpu.dma_semaphore, #tpu.memory_space<semaphore_mem>>)
      %dma_wait3A = arith.constant 0 : i32
      %dma_wait3A_36 = tpu.memref_slice %arg9[%add3A_9, %dma_wait3A] : memref<10240x128xf32, #tpu.memory_space<vmem_shared>> -> memref<128x128xf32, #tpu.memory_space<vmem_shared>>
      %dma_wait3A_37 = arith.constant 0 : i32
      %dma_wait3A_38 = tpu.memref_slice %arg9[%add3A_9, %dma_wait3A_37] : memref<10240x128xf32, #tpu.memory_space<vmem_shared>> -> memref<128x128xf32, #tpu.memory_space<vmem_shared>>
      tpu.wait_dma2 semaphore(%run_scoped3A : memref<!tpu.dma_semaphore, #tpu.memory_space<semaphore_mem>>) src(%arg8 : memref<128x128xf32, #tpu.memory_space<vmem>>) dst(%dma_wait3A_38 : memref<128x128xf32, #tpu.memory_space<vmem_shared>>)
      tpu.yield
    }) : () -> ()
    %add3A_10 = arith.constant 128 : i32
    %add3A_11 = arith.addi %mul3A_2, %add3A_10 : i32
    "tpu.region"() ({
      %run_scoped3A = tpu.sem_alloc : memref<!tpu.dma_semaphore, #tpu.memory_space<semaphore_mem>>
      %dma_start3A = arith.constant 0 : i32
      %dma_start3A_33 = tpu.memref_slice %arg9[%add3A_11, %dma_start3A] : memref<10240x128xf32, #tpu.memory_space<vmem_shared>> -> memref<128x128xf32, #tpu.memory_space<vmem_shared>>
      %dma_start3A_34 = arith.constant 0 : i32
      %dma_start3A_35 = tpu.memref_slice %arg9[%add3A_11, %dma_start3A_34] : memref<10240x128xf32, #tpu.memory_space<vmem_shared>> -> memref<128x128xf32, #tpu.memory_space<vmem_shared>>
      tpu.enqueue_dma source(%arg8 : memref<128x128xf32, #tpu.memory_space<vmem>>) target(%dma_start3A_35 : memref<128x128xf32, #tpu.memory_space<vmem_shared>>) target_semaphore(%run_scoped3A : memref<!tpu.dma_semaphore, #tpu.memory_space<semaphore_mem>>)
      %dma_wait3A = arith.constant 0 : i32
      %dma_wait3A_36 = tpu.memref_slice %arg9[%add3A_11, %dma_wait3A] : memref<10240x128xf32, #tpu.memory_space<vmem_shared>> -> memref<128x128xf32, #tpu.memory_space<vmem_shared>>
      %dma_wait3A_37 = arith.constant 0 : i32
      %dma_wait3A_38 = tpu.memref_slice %arg9[%add3A_11, %dma_wait3A_37] : memref<10240x128xf32, #tpu.memory_space<vmem_shared>> -> memref<128x128xf32, #tpu.memory_space<vmem_shared>>
      tpu.wait_dma2 semaphore(%run_scoped3A : memref<!tpu.dma_semaphore, #tpu.memory_space<semaphore_mem>>) src(%arg8 : memref<128x128xf32, #tpu.memory_space<vmem>>) dst(%dma_wait3A_38 : memref<128x128xf32, #tpu.memory_space<vmem_shared>>)
      tpu.yield
    }) : () -> ()
    %add3A_12 = arith.constant 256 : i32
    %add3A_13 = arith.addi %mul3A_2, %add3A_12 : i32
    "tpu.region"() ({
      %run_scoped3A = tpu.sem_alloc : memref<!tpu.dma_semaphore, #tpu.memory_space<semaphore_mem>>
      %dma_start3A = arith.constant 0 : i32
      %dma_start3A_33 = tpu.memref_slice %arg9[%add3A_13, %dma_start3A] : memref<10240x128xf32, #tpu.memory_space<vmem_shared>> -> memref<128x128xf32, #tpu.memory_space<vmem_shared>>
      %dma_start3A_34 = arith.constant 0 : i32
      %dma_start3A_35 = tpu.memref_slice %arg9[%add3A_13, %dma_start3A_34] : memref<10240x128xf32, #tpu.memory_space<vmem_shared>> -> memref<128x128xf32, #tpu.memory_space<vmem_shared>>
      tpu.enqueue_dma source(%arg8 : memref<128x128xf32, #tpu.memory_space<vmem>>) target(%dma_start3A_35 : memref<128x128xf32, #tpu.memory_space<vmem_shared>>) target_semaphore(%run_scoped3A : memref<!tpu.dma_semaphore, #tpu.memory_space<semaphore_mem>>)
      %dma_wait3A = arith.constant 0 : i32
      %dma_wait3A_36 = tpu.memref_slice %arg9[%add3A_13, %dma_wait3A] : memref<10240x128xf32, #tpu.memory_space<vmem_shared>> -> memref<128x128xf32, #tpu.memory_space<vmem_shared>>
      %dma_wait3A_37 = arith.constant 0 : i32
      %dma_wait3A_38 = tpu.memref_slice %arg9[%add3A_13, %dma_wait3A_37] : memref<10240x128xf32, #tpu.memory_space<vmem_shared>> -> memref<128x128xf32, #tpu.memory_space<vmem_shared>>
      tpu.wait_dma2 semaphore(%run_scoped3A : memref<!tpu.dma_semaphore, #tpu.memory_space<semaphore_mem>>) src(%arg8 : memref<128x128xf32, #tpu.memory_space<vmem>>) dst(%dma_wait3A_38 : memref<128x128xf32, #tpu.memory_space<vmem_shared>>)
      tpu.yield
    }) : () -> ()
    %add3A_14 = arith.constant 384 : i32
    %add3A_15 = arith.addi %mul3A_2, %add3A_14 : i32
    "tpu.region"() ({
      %run_scoped3A = tpu.sem_alloc : memref<!tpu.dma_semaphore, #tpu.memory_space<semaphore_mem>>
      %dma_start3A = arith.constant 0 : i32
      %dma_start3A_33 = tpu.memref_slice %arg9[%add3A_15, %dma_start3A] : memref<10240x128xf32, #tpu.memory_space<vmem_shared>> -> memref<128x128xf32, #tpu.memory_space<vmem_shared>>
      %dma_start3A_34 = arith.constant 0 : i32
      %dma_start3A_35 = tpu.memref_slice %arg9[%add3A_15, %dma_start3A_34] : memref<10240x128xf32, #tpu.memory_space<vmem_shared>> -> memref<128x128xf32, #tpu.memory_space<vmem_shared>>
      tpu.enqueue_dma source(%arg8 : memref<128x128xf32, #tpu.memory_space<vmem>>) target(%dma_start3A_35 : memref<128x128xf32, #tpu.memory_space<vmem_shared>>) target_semaphore(%run_scoped3A : memref<!tpu.dma_semaphore, #tpu.memory_space<semaphore_mem>>)
      %dma_wait3A = arith.constant 0 : i32
      %dma_wait3A_36 = tpu.memref_slice %arg9[%add3A_15, %dma_wait3A] : memref<10240x128xf32, #tpu.memory_space<vmem_shared>> -> memref<128x128xf32, #tpu.memory_space<vmem_shared>>
      %dma_wait3A_37 = arith.constant 0 : i32
      %dma_wait3A_38 = tpu.memref_slice %arg9[%add3A_15, %dma_wait3A_37] : memref<10240x128xf32, #tpu.memory_space<vmem_shared>> -> memref<128x128xf32, #tpu.memory_space<vmem_shared>>
      tpu.wait_dma2 semaphore(%run_scoped3A : memref<!tpu.dma_semaphore, #tpu.memory_space<semaphore_mem>>) src(%arg8 : memref<128x128xf32, #tpu.memory_space<vmem>>) dst(%dma_wait3A_38 : memref<128x128xf32, #tpu.memory_space<vmem_shared>>)
      tpu.yield
    }) : () -> ()
    %add3A_16 = arith.constant 512 : i32
    %add3A_17 = arith.addi %mul3A_2, %add3A_16 : i32
    "tpu.region"() ({
      %run_scoped3A = tpu.sem_alloc : memref<!tpu.dma_semaphore, #tpu.memory_space<semaphore_mem>>
      %dma_start3A = arith.constant 0 : i32
      %dma_start3A_33 = tpu.memref_slice %arg9[%add3A_17, %dma_start3A] : memref<10240x128xf32, #tpu.memory_space<vmem_shared>> -> memref<128x128xf32, #tpu.memory_space<vmem_shared>>
      %dma_start3A_34 = arith.constant 0 : i32
      %dma_start3A_35 = tpu.memref_slice %arg9[%add3A_17, %dma_start3A_34] : memref<10240x128xf32, #tpu.memory_space<vmem_shared>> -> memref<128x128xf32, #tpu.memory_space<vmem_shared>>
      tpu.enqueue_dma source(%arg8 : memref<128x128xf32, #tpu.memory_space<vmem>>) target(%dma_start3A_35 : memref<128x128xf32, #tpu.memory_space<vmem_shared>>) target_semaphore(%run_scoped3A : memref<!tpu.dma_semaphore, #tpu.memory_space<semaphore_mem>>)
      %dma_wait3A = arith.constant 0 : i32
      %dma_wait3A_36 = tpu.memref_slice %arg9[%add3A_17, %dma_wait3A] : memref<10240x128xf32, #tpu.memory_space<vmem_shared>> -> memref<128x128xf32, #tpu.memory_space<vmem_shared>>
      %dma_wait3A_37 = arith.constant 0 : i32
      %dma_wait3A_38 = tpu.memref_slice %arg9[%add3A_17, %dma_wait3A_37] : memref<10240x128xf32, #tpu.memory_space<vmem_shared>> -> memref<128x128xf32, #tpu.memory_space<vmem_shared>>
      tpu.wait_dma2 semaphore(%run_scoped3A : memref<!tpu.dma_semaphore, #tpu.memory_space<semaphore_mem>>) src(%arg8 : memref<128x128xf32, #tpu.memory_space<vmem>>) dst(%dma_wait3A_38 : memref<128x128xf32, #tpu.memory_space<vmem_shared>>)
      tpu.yield
    }) : () -> ()
    %barrier3A = arith.constant 0 : index
    tpu.barrier barrier_id(%barrier3A)
    %eq3A = arith.constant 0 : i32
    %eq3A_18 = arith.cmpi eq, %arg0, %eq3A : i32
    %jit3A = arith.constant 106 : i32
    %jit3A_19 = arith.constant 51 : i32
    %select_n3A = arith.select %eq3A_18, %jit3A, %jit3A_19 : i32
    %while3A = arith.constant 0 : i32
    %while3A_20 = arith.constant 0 : i32
    %while3A_21 = arith.subi %select_n3A, %while3A_20 : i32
    %while3A_22 = arith.addi %while3A_20, %while3A_21 : i32
    %while3A_23 = arith.constant 1 : i32
    %while3A_24 = arith.divsi %while3A_21, %while3A_23 : i32
    %while3A_25 = arith.muli %while3A_24, %while3A_23 : i32
    %while3A_26 = arith.addi %while3A_20, %while3A_25 : i32
    %while3A_27 = arith.constant 1 : i32
    scf.for %while3A_33 = %while3A_20 to %while3A_26 step %while3A_27  : i32 {
      "tpu.region"() ({
        %run_scoped3A = tpu.sem_alloc : memref<!tpu.dma_semaphore, #tpu.memory_space<semaphore_mem>>
        %dma_start3A_38 = arith.constant 0 : i32
        %dma_start3A_39 = tpu.memref_slice %arg2[%add3A, %while3A_33, %dma_start3A_38] : memref<32x106x128xi32, #tpu.memory_space<hbm>> -> memref<1x1x128xi32, #tpu.memory_space<hbm>>
        %dma_start3A_40 = tpu.memref_squeeze %dma_start3A_39 : memref<1x1x128xi32, #tpu.memory_space<hbm>> -> memref<128xi32, #tpu.memory_space<hbm>>
        %dma_start3A_41 = arith.constant 0 : i32
        %dma_start3A_42 = tpu.memref_slice %arg2[%add3A, %while3A_33, %dma_start3A_41] : memref<32x106x128xi32, #tpu.memory_space<hbm>> -> memref<1x1x128xi32, #tpu.memory_space<hbm>>
        %dma_start3A_43 = tpu.memref_squeeze %dma_start3A_42 : memref<1x1x128xi32, #tpu.memory_space<hbm>> -> memref<128xi32, #tpu.memory_space<hbm>>
        tpu.enqueue_dma source(%dma_start3A_43 : memref<128xi32, #tpu.memory_space<hbm>>) target(%arg6 : memref<128xi32, #tpu.memory_space<vmem>>) target_semaphore(%run_scoped3A : memref<!tpu.dma_semaphore, #tpu.memory_space<semaphore_mem>>)
        %dma_wait3A_44 = arith.constant 0 : i32
        %dma_wait3A_45 = tpu.memref_slice %arg2[%add3A, %while3A_33, %dma_wait3A_44] : memref<32x106x128xi32, #tpu.memory_space<hbm>> -> memref<1x1x128xi32, #tpu.memory_space<hbm>>
        %dma_wait3A_46 = tpu.memref_squeeze %dma_wait3A_45 : memref<1x1x128xi32, #tpu.memory_space<hbm>> -> memref<128xi32, #tpu.memory_space<hbm>>
        %dma_wait3A_47 = arith.constant 0 : i32
        %dma_wait3A_48 = tpu.memref_slice %arg2[%add3A, %while3A_33, %dma_wait3A_47] : memref<32x106x128xi32, #tpu.memory_space<hbm>> -> memref<1x1x128xi32, #tpu.memory_space<hbm>>
        %dma_wait3A_49 = tpu.memref_squeeze %dma_wait3A_48 : memref<1x1x128xi32, #tpu.memory_space<hbm>> -> memref<128xi32, #tpu.memory_space<hbm>>
        tpu.wait_dma2 semaphore(%run_scoped3A : memref<!tpu.dma_semaphore, #tpu.memory_space<semaphore_mem>>) src(%dma_wait3A_49 : memref<128xi32, #tpu.memory_space<hbm>>) dst(%arg6 : memref<128xi32, #tpu.memory_space<vmem>>)
        tpu.yield
      }) : () -> ()
      "tpu.region"() ({
        %run_scoped3A = tpu.sem_alloc : memref<!tpu.dma_semaphore, #tpu.memory_space<semaphore_mem>>
        %dma_start3A_38 = arith.constant 0 : i32
        %dma_start3A_39 = tpu.memref_slice %arg3[%add3A, %while3A_33, %dma_start3A_38] : memref<32x106x128xi32, #tpu.memory_space<hbm>> -> memref<1x1x128xi32, #tpu.memory_space<hbm>>
        %dma_start3A_40 = tpu.memref_squeeze %dma_start3A_39 : memref<1x1x128xi32, #tpu.memory_space<hbm>> -> memref<128xi32, #tpu.memory_space<hbm>>
        %dma_start3A_41 = arith.constant 0 : i32
        %dma_start3A_42 = tpu.memref_slice %arg3[%add3A, %while3A_33, %dma_start3A_41] : memref<32x106x128xi32, #tpu.memory_space<hbm>> -> memref<1x1x128xi32, #tpu.memory_space<hbm>>
        %dma_start3A_43 = tpu.memref_squeeze %dma_start3A_42 : memref<1x1x128xi32, #tpu.memory_space<hbm>> -> memref<128xi32, #tpu.memory_space<hbm>>
        tpu.enqueue_dma source(%dma_start3A_43 : memref<128xi32, #tpu.memory_space<hbm>>) target(%arg7 : memref<128xi32, #tpu.memory_space<vmem>>) target_semaphore(%run_scoped3A : memref<!tpu.dma_semaphore, #tpu.memory_space<semaphore_mem>>)
        %dma_wait3A_44 = arith.constant 0 : i32
        %dma_wait3A_45 = tpu.memref_slice %arg3[%add3A, %while3A_33, %dma_wait3A_44] : memref<32x106x128xi32, #tpu.memory_space<hbm>> -> memref<1x1x128xi32, #tpu.memory_space<hbm>>
        %dma_wait3A_46 = tpu.memref_squeeze %dma_wait3A_45 : memref<1x1x128xi32, #tpu.memory_space<hbm>> -> memref<128xi32, #tpu.memory_space<hbm>>
        %dma_wait3A_47 = arith.constant 0 : i32
        %dma_wait3A_48 = tpu.memref_slice %arg3[%add3A, %while3A_33, %dma_wait3A_47] : memref<32x106x128xi32, #tpu.memory_space<hbm>> -> memref<1x1x128xi32, #tpu.memory_space<hbm>>
        %dma_wait3A_49 = tpu.memref_squeeze %dma_wait3A_48 : memref<1x1x128xi32, #tpu.memory_space<hbm>> -> memref<128xi32, #tpu.memory_space<hbm>>
        tpu.wait_dma2 semaphore(%run_scoped3A : memref<!tpu.dma_semaphore, #tpu.memory_space<semaphore_mem>>) src(%dma_wait3A_49 : memref<128xi32, #tpu.memory_space<hbm>>) dst(%arg7 : memref<128xi32, #tpu.memory_space<vmem>>)
        tpu.yield
      }) : () -> ()
      %dma_start3A = arith.constant 0 : i32
      %dma_start3A_34 = arith.constant 0 : i32
      %dma_start3A_35 = tpu.memref_slice %arg4[%dma_start3A, %dma_start3A_34] : memref<10000x128xf32, #tpu.memory_space<hbm>> -> memref<10000x128xf32, #tpu.memory_space<hbm>>
      tpu.enqueue_indirect_dma source(%dma_start3A_35 : memref<10000x128xf32, #tpu.memory_space<hbm>>) target(%arg8 : memref<128x128xf32, #tpu.memory_space<vmem>>) offsets(%arg6 : memref<128xi32, #tpu.memory_space<vmem>>) semaphore(%arg10 : memref<!tpu.dma_semaphore, #tpu.memory_space<semaphore_mem>>)
      %dma_wait3A = arith.constant 0 : i32
      %dma_wait3A_36 = arith.constant 0 : i32
      %dma_wait3A_37 = tpu.memref_slice %arg4[%dma_wait3A, %dma_wait3A_36] : memref<10000x128xf32, #tpu.memory_space<hbm>> -> memref<10000x128xf32, #tpu.memory_space<hbm>>
      tpu.wait_indirect_dma semaphore(%arg10 : memref<!tpu.dma_semaphore, #tpu.memory_space<semaphore_mem>>) src(%dma_wait3A_37 : memref<10000x128xf32, #tpu.memory_space<hbm>>) dst(%arg8 : memref<128x128xf32, #tpu.memory_space<vmem>>)
      "tpu.region"() ({
        %run_scoped3A = tpu.sem_alloc : memref<!tpu.dma_semaphore, #tpu.memory_space<semaphore_mem>>
        %dma_start3A_38 = arith.constant 0 : i32
        %dma_start3A_39 = arith.constant 0 : i32
        %dma_start3A_40 = tpu.memref_slice %arg9[%dma_start3A_38, %dma_start3A_39] : memref<10240x128xf32, #tpu.memory_space<vmem_shared>> -> memref<10240x128xf32, #tpu.memory_space<vmem_shared>>
        tpu.enqueue_indirect_dma source(%arg8 : memref<128x128xf32, #tpu.memory_space<vmem>>) target(%dma_start3A_40 : memref<10240x128xf32, #tpu.memory_space<vmem_shared>>) offsets(%arg7 : memref<128xi32, #tpu.memory_space<vmem>>) semaphore(%run_scoped3A : memref<!tpu.dma_semaphore, #tpu.memory_space<semaphore_mem>>) {add = true}
        %dma_wait3A_41 = arith.constant 0 : i32
        %dma_wait3A_42 = arith.constant 0 : i32
        %dma_wait3A_43 = tpu.memref_slice %arg9[%dma_wait3A_41, %dma_wait3A_42] : memref<10240x128xf32, #tpu.memory_space<vmem_shared>> -> memref<10240x128xf32, #tpu.memory_space<vmem_shared>>
        tpu.wait_indirect_dma semaphore(%run_scoped3A : memref<!tpu.dma_semaphore, #tpu.memory_space<semaphore_mem>>) src(%arg8 : memref<128x128xf32, #tpu.memory_space<vmem>>) dst(%dma_wait3A_43 : memref<10240x128xf32, #tpu.memory_space<vmem_shared>>)
        tpu.yield
      }) : () -> ()
    }
    %while3A_28 = arith.constant 1 : i32
    scf.for %while3A_33 = %while3A_26 to %while3A_22 step %while3A_28  : i32 {
      "tpu.region"() ({
        %run_scoped3A = tpu.sem_alloc : memref<!tpu.dma_semaphore, #tpu.memory_space<semaphore_mem>>
        %dma_start3A_38 = arith.constant 0 : i32
        %dma_start3A_39 = tpu.memref_slice %arg2[%add3A, %while3A_33, %dma_start3A_38] : memref<32x106x128xi32, #tpu.memory_space<hbm>> -> memref<1x1x128xi32, #tpu.memory_space<hbm>>
        %dma_start3A_40 = tpu.memref_squeeze %dma_start3A_39 : memref<1x1x128xi32, #tpu.memory_space<hbm>> -> memref<128xi32, #tpu.memory_space<hbm>>
        %dma_start3A_41 = arith.constant 0 : i32
        %dma_start3A_42 = tpu.memref_slice %arg2[%add3A, %while3A_33, %dma_start3A_41] : memref<32x106x128xi32, #tpu.memory_space<hbm>> -> memref<1x1x128xi32, #tpu.memory_space<hbm>>
        %dma_start3A_43 = tpu.memref_squeeze %dma_start3A_42 : memref<1x1x128xi32, #tpu.memory_space<hbm>> -> memref<128xi32, #tpu.memory_space<hbm>>
        tpu.enqueue_dma source(%dma_start3A_43 : memref<128xi32, #tpu.memory_space<hbm>>) target(%arg6 : memref<128xi32, #tpu.memory_space<vmem>>) target_semaphore(%run_scoped3A : memref<!tpu.dma_semaphore, #tpu.memory_space<semaphore_mem>>)
        %dma_wait3A_44 = arith.constant 0 : i32
        %dma_wait3A_45 = tpu.memref_slice %arg2[%add3A, %while3A_33, %dma_wait3A_44] : memref<32x106x128xi32, #tpu.memory_space<hbm>> -> memref<1x1x128xi32, #tpu.memory_space<hbm>>
        %dma_wait3A_46 = tpu.memref_squeeze %dma_wait3A_45 : memref<1x1x128xi32, #tpu.memory_space<hbm>> -> memref<128xi32, #tpu.memory_space<hbm>>
        %dma_wait3A_47 = arith.constant 0 : i32
        %dma_wait3A_48 = tpu.memref_slice %arg2[%add3A, %while3A_33, %dma_wait3A_47] : memref<32x106x128xi32, #tpu.memory_space<hbm>> -> memref<1x1x128xi32, #tpu.memory_space<hbm>>
        %dma_wait3A_49 = tpu.memref_squeeze %dma_wait3A_48 : memref<1x1x128xi32, #tpu.memory_space<hbm>> -> memref<128xi32, #tpu.memory_space<hbm>>
        tpu.wait_dma2 semaphore(%run_scoped3A : memref<!tpu.dma_semaphore, #tpu.memory_space<semaphore_mem>>) src(%dma_wait3A_49 : memref<128xi32, #tpu.memory_space<hbm>>) dst(%arg6 : memref<128xi32, #tpu.memory_space<vmem>>)
        tpu.yield
      }) : () -> ()
      "tpu.region"() ({
        %run_scoped3A = tpu.sem_alloc : memref<!tpu.dma_semaphore, #tpu.memory_space<semaphore_mem>>
        %dma_start3A_38 = arith.constant 0 : i32
        %dma_start3A_39 = tpu.memref_slice %arg3[%add3A, %while3A_33, %dma_start3A_38] : memref<32x106x128xi32, #tpu.memory_space<hbm>> -> memref<1x1x128xi32, #tpu.memory_space<hbm>>
        %dma_start3A_40 = tpu.memref_squeeze %dma_start3A_39 : memref<1x1x128xi32, #tpu.memory_space<hbm>> -> memref<128xi32, #tpu.memory_space<hbm>>
        %dma_start3A_41 = arith.constant 0 : i32
        %dma_start3A_42 = tpu.memref_slice %arg3[%add3A, %while3A_33, %dma_start3A_41] : memref<32x106x128xi32, #tpu.memory_space<hbm>> -> memref<1x1x128xi32, #tpu.memory_space<hbm>>
        %dma_start3A_43 = tpu.memref_squeeze %dma_start3A_42 : memref<1x1x128xi32, #tpu.memory_space<hbm>> -> memref<128xi32, #tpu.memory_space<hbm>>
        tpu.enqueue_dma source(%dma_start3A_43 : memref<128xi32, #tpu.memory_space<hbm>>) target(%arg7 : memref<128xi32, #tpu.memory_space<vmem>>) target_semaphore(%run_scoped3A : memref<!tpu.dma_semaphore, #tpu.memory_space<semaphore_mem>>)
        %dma_wait3A_44 = arith.constant 0 : i32
        %dma_wait3A_45 = tpu.memref_slice %arg3[%add3A, %while3A_33, %dma_wait3A_44] : memref<32x106x128xi32, #tpu.memory_space<hbm>> -> memref<1x1x128xi32, #tpu.memory_space<hbm>>
        %dma_wait3A_46 = tpu.memref_squeeze %dma_wait3A_45 : memref<1x1x128xi32, #tpu.memory_space<hbm>> -> memref<128xi32, #tpu.memory_space<hbm>>
        %dma_wait3A_47 = arith.constant 0 : i32
        %dma_wait3A_48 = tpu.memref_slice %arg3[%add3A, %while3A_33, %dma_wait3A_47] : memref<32x106x128xi32, #tpu.memory_space<hbm>> -> memref<1x1x128xi32, #tpu.memory_space<hbm>>
        %dma_wait3A_49 = tpu.memref_squeeze %dma_wait3A_48 : memref<1x1x128xi32, #tpu.memory_space<hbm>> -> memref<128xi32, #tpu.memory_space<hbm>>
        tpu.wait_dma2 semaphore(%run_scoped3A : memref<!tpu.dma_semaphore, #tpu.memory_space<semaphore_mem>>) src(%dma_wait3A_49 : memref<128xi32, #tpu.memory_space<hbm>>) dst(%arg7 : memref<128xi32, #tpu.memory_space<vmem>>)
        tpu.yield
      }) : () -> ()
      %dma_start3A = arith.constant 0 : i32
      %dma_start3A_34 = arith.constant 0 : i32
      %dma_start3A_35 = tpu.memref_slice %arg4[%dma_start3A, %dma_start3A_34] : memref<10000x128xf32, #tpu.memory_space<hbm>> -> memref<10000x128xf32, #tpu.memory_space<hbm>>
      tpu.enqueue_indirect_dma source(%dma_start3A_35 : memref<10000x128xf32, #tpu.memory_space<hbm>>) target(%arg8 : memref<128x128xf32, #tpu.memory_space<vmem>>) offsets(%arg6 : memref<128xi32, #tpu.memory_space<vmem>>) semaphore(%arg10 : memref<!tpu.dma_semaphore, #tpu.memory_space<semaphore_mem>>)
      %dma_wait3A = arith.constant 0 : i32
      %dma_wait3A_36 = arith.constant 0 : i32
      %dma_wait3A_37 = tpu.memref_slice %arg4[%dma_wait3A, %dma_wait3A_36] : memref<10000x128xf32, #tpu.memory_space<hbm>> -> memref<10000x128xf32, #tpu.memory_space<hbm>>
      tpu.wait_indirect_dma semaphore(%arg10 : memref<!tpu.dma_semaphore, #tpu.memory_space<semaphore_mem>>) src(%dma_wait3A_37 : memref<10000x128xf32, #tpu.memory_space<hbm>>) dst(%arg8 : memref<128x128xf32, #tpu.memory_space<vmem>>)
      "tpu.region"() ({
        %run_scoped3A = tpu.sem_alloc : memref<!tpu.dma_semaphore, #tpu.memory_space<semaphore_mem>>
        %dma_start3A_38 = arith.constant 0 : i32
        %dma_start3A_39 = arith.constant 0 : i32
        %dma_start3A_40 = tpu.memref_slice %arg9[%dma_start3A_38, %dma_start3A_39] : memref<10240x128xf32, #tpu.memory_space<vmem_shared>> -> memref<10240x128xf32, #tpu.memory_space<vmem_shared>>
        tpu.enqueue_indirect_dma source(%arg8 : memref<128x128xf32, #tpu.memory_space<vmem>>) target(%dma_start3A_40 : memref<10240x128xf32, #tpu.memory_space<vmem_shared>>) offsets(%arg7 : memref<128xi32, #tpu.memory_space<vmem>>) semaphore(%run_scoped3A : memref<!tpu.dma_semaphore, #tpu.memory_space<semaphore_mem>>) {add = true}
        %dma_wait3A_41 = arith.constant 0 : i32
        %dma_wait3A_42 = arith.constant 0 : i32
        %dma_wait3A_43 = tpu.memref_slice %arg9[%dma_wait3A_41, %dma_wait3A_42] : memref<10240x128xf32, #tpu.memory_space<vmem_shared>> -> memref<10240x128xf32, #tpu.memory_space<vmem_shared>>
        tpu.wait_indirect_dma semaphore(%run_scoped3A : memref<!tpu.dma_semaphore, #tpu.memory_space<semaphore_mem>>) src(%arg8 : memref<128x128xf32, #tpu.memory_space<vmem>>) dst(%dma_wait3A_43 : memref<10240x128xf32, #tpu.memory_space<vmem_shared>>)
        tpu.yield
      }) : () -> ()
    }
    %barrier3A_29 = arith.constant 0 : index
    tpu.barrier barrier_id(%barrier3A_29)
    %mul3A_30 = arith.constant 10240 : i32
    %mul3A_31 = arith.muli %arg0, %mul3A_30 : i32
    %add3A_32 = arith.addi %mul3A_31, %mul3A_2 : i32
    "tpu.region"() ({
      %run_scoped3A = tpu.sem_alloc : memref<!tpu.dma_semaphore, #tpu.memory_space<semaphore_mem>>
      %dma_start3A = arith.constant 0 : i32
      %dma_start3A_33 = tpu.memref_slice %arg5[%add3A_32, %dma_start3A] : memref<20480x128xf32, #tpu.memory_space<hbm>> -> memref<640x128xf32, #tpu.memory_space<hbm>>
      %dma_start3A_34 = arith.constant 0 : i32
      %dma_start3A_35 = tpu.memref_slice %arg9[%mul3A_2, %dma_start3A_34] : memref<10240x128xf32, #tpu.memory_space<vmem_shared>> -> memref<640x128xf32, #tpu.memory_space<vmem_shared>>
      tpu.enqueue_dma source(%dma_start3A_35 : memref<640x128xf32, #tpu.memory_space<vmem_shared>>) target(%dma_start3A_33 : memref<640x128xf32, #tpu.memory_space<hbm>>) target_semaphore(%run_scoped3A : memref<!tpu.dma_semaphore, #tpu.memory_space<semaphore_mem>>)
      %dma_wait3A = arith.constant 0 : i32
      %dma_wait3A_36 = tpu.memref_slice %arg5[%add3A_32, %dma_wait3A] : memref<20480x128xf32, #tpu.memory_space<hbm>> -> memref<640x128xf32, #tpu.memory_space<hbm>>
      %dma_wait3A_37 = arith.constant 0 : i32
      %dma_wait3A_38 = tpu.memref_slice %arg9[%mul3A_2, %dma_wait3A_37] : memref<10240x128xf32, #tpu.memory_space<vmem_shared>> -> memref<640x128xf32, #tpu.memory_space<vmem_shared>>
      tpu.wait_dma2 semaphore(%run_scoped3A : memref<!tpu.dma_semaphore, #tpu.memory_space<semaphore_mem>>) src(%dma_wait3A_38 : memref<640x128xf32, #tpu.memory_space<vmem_shared>>) dst(%dma_wait3A_36 : memref<640x128xf32, #tpu.memory_space<hbm>>)
      tpu.yield
    }) : () -> ()
    return
  }
}

module attributes {stable_mosaic.version = 14 : i64} {
  func.func @_stage_a_body(%arg0: i32, %arg1: memref<1000x128xf32, #tpu.memory_space<vmem>>, %arg2: memref<128x128xf32, #tpu.memory_space<vmem>>, %arg3: memref<1000x1xf32, #tpu.memory_space<vmem>>, %arg4: memref<1000x1xf32, #tpu.memory_space<vmem>>, %arg5: memref<1000x128xf32, #tpu.memory_space<vmem>>, %arg6: memref<1000x1xf32, #tpu.memory_space<vmem>>) attributes {dimension_semantics = [#tpu.dimension_semantics<arbitrary>], iteration_bounds = array<i64: 10>, scalar_prefetch = 0 : i64, scratch_operands = 0 : i64, tpu.core_type = #tpu.core_type<tc>, window_params = [{transform_indices = @transform_0, window_bounds = array<i64: 1000, 128>}, {pipeline_mode = #tpu.pipeline_mode<synchronous>, transform_indices = @transform_1, window_bounds = array<i64: 128, 128>}, {transform_indices = @transform_2, window_bounds = array<i64: 1000, 1>}, {transform_indices = @transform_3, window_bounds = array<i64: 1000, 1>}, {transform_indices = @transform_4, window_bounds = array<i64: 1000, 128>}, {transform_indices = @transform_5, window_bounds = array<i64: 1000, 1>}]} {
    %get3A = arith.constant 0 : index
    %get3A_0 = arith.constant 0 : index
    %get3A_1 = vector.load %arg3[%get3A, %get3A_0] : memref<1000x1xf32, #tpu.memory_space<vmem>>, vector<1000x1xf32>
    %get3A_2 = arith.constant 0 : index
    %get3A_3 = arith.constant 0 : index
    %get3A_4 = vector.load %arg4[%get3A_2, %get3A_3] : memref<1000x1xf32, #tpu.memory_space<vmem>>, vector<1000x1xf32>
    %add3A = arith.addf %get3A_1, %get3A_4 : vector<1000x1xf32>
    %add3A_5 = arith.constant 1.000000e+00 : f32
    %add3A_6 = vector.broadcast %add3A_5 : f32 to vector<1000x1xf32>
    %add3A_7 = arith.addf %add3A, %add3A_6 : vector<1000x1xf32>
    %rsqrt3A = math.rsqrt %add3A_7 : vector<1000x1xf32>
    %get3A_8 = arith.constant 0 : index
    %get3A_9 = arith.constant 0 : index
    %get3A_10 = vector.load %arg1[%get3A_8, %get3A_9] : memref<1000x128xf32, #tpu.memory_space<vmem>>, vector<1000x128xf32>
    %get3A_11 = arith.constant 0 : index
    %get3A_12 = arith.constant 0 : index
    %get3A_13 = vector.load %arg2[%get3A_11, %get3A_12] : memref<128x128xf32, #tpu.memory_space<vmem>>, vector<128x128xf32>
    %dot_general3A = arith.constant dense<0.000000e+00> : vector<1000x128xf32>
    %dot_general3A_14 = tpu.matmul %get3A_10, %get3A_13, %dot_general3A {dimension_numbers = #tpu.dot_dimension_numbers<[1], [0], [0], [1], [0, 0, 1, 1], [], []>, transpose_lhs_hint = false} : vector<1000x128xf32>, vector<128x128xf32>, vector<1000x128xf32> -> vector<1000x128xf32>
    %mul3A = vector.broadcast %rsqrt3A : vector<1000x1xf32> to vector<1000x128xf32>
    %mul3A_15 = arith.mulf %mul3A, %dot_general3A_14 : vector<1000x128xf32>
    %swap3A = arith.constant 0 : index
    %swap3A_16 = arith.constant 0 : index
    %swap3A_17 = vector.load %arg5[%swap3A, %swap3A_16] : memref<1000x128xf32, #tpu.memory_space<vmem>>, vector<1000x128xf32>
    tpu.vector_store %arg5[%swap3A, %swap3A_16], %mul3A_15 {strides = array<i32>} : memref<1000x128xf32, #tpu.memory_space<vmem>>, vector<1000x128xf32>,
    %swap3A_18 = arith.constant 0 : index
    %swap3A_19 = arith.constant 0 : index
    %swap3A_20 = vector.load %arg6[%swap3A_18, %swap3A_19] : memref<1000x1xf32, #tpu.memory_space<vmem>>, vector<1000x1xf32>
    tpu.vector_store %arg6[%swap3A_18, %swap3A_19], %rsqrt3A {strides = array<i32>} : memref<1000x1xf32, #tpu.memory_space<vmem>>, vector<1000x1xf32>,
    return
  }
  func.func @transform_0(%arg0: i32) -> (i32, i32) {
    %c0_i32 = arith.constant 0 : i32
    %c0_i32_0 = arith.constant 0 : i32
    return %arg0, %c0_i32 : i32, i32
  }
  func.func @transform_1(%arg0: i32) -> (i32, i32) {
    %c0_i32 = arith.constant 0 : i32
    %c0_i32_0 = arith.constant 0 : i32
    %c0_i32_1 = arith.constant 0 : i32
    return %c0_i32, %c0_i32_0 : i32, i32
  }
  func.func @transform_2(%arg0: i32) -> (i32, i32) {
    %c0_i32 = arith.constant 0 : i32
    %c0_i32_0 = arith.constant 0 : i32
    return %arg0, %c0_i32 : i32, i32
  }
  func.func @transform_3(%arg0: i32) -> (i32, i32) {
    %c0_i32 = arith.constant 0 : i32
    %c0_i32_0 = arith.constant 0 : i32
    return %arg0, %c0_i32 : i32, i32
  }
  func.func @transform_4(%arg0: i32) -> (i32, i32) {
    %c0_i32 = arith.constant 0 : i32
    %c0_i32_0 = arith.constant 0 : i32
    return %arg0, %c0_i32 : i32, i32
  }
  func.func @transform_5(%arg0: i32) -> (i32, i32) {
    %c0_i32 = arith.constant 0 : i32
    %c0_i32_0 = arith.constant 0 : i32
    return %arg0, %c0_i32 : i32, i32
  }
}

module attributes {stable_mosaic.version = 14 : i64} {
  func.func @_stage_b_body(%arg0: i32, %arg1: memref<1000x128xf32, #tpu.memory_space<vmem>>, %arg2: memref<1000x128xf32, #tpu.memory_space<vmem>>, %arg3: memref<1000x128xf32, #tpu.memory_space<vmem>>, %arg4: memref<1000x1xf32, #tpu.memory_space<vmem>>, %arg5: memref<1x128xf32, #tpu.memory_space<vmem>>, %arg6: memref<128x128xf32, #tpu.memory_space<vmem>>, %arg7: memref<1000x128xf32, #tpu.memory_space<vmem>>) attributes {dimension_semantics = [#tpu.dimension_semantics<arbitrary>], iteration_bounds = array<i64: 10>, scalar_prefetch = 0 : i64, scratch_operands = 0 : i64, tpu.core_type = #tpu.core_type<tc>, window_params = [{transform_indices = @transform_0, window_bounds = array<i64: 1000, 128>}, {transform_indices = @transform_1, window_bounds = array<i64: 1000, 128>}, {transform_indices = @transform_2, window_bounds = array<i64: 1000, 128>}, {transform_indices = @transform_3, window_bounds = array<i64: 1000, 1>}, {pipeline_mode = #tpu.pipeline_mode<synchronous>, transform_indices = @transform_4, window_bounds = array<i64: 1, 128>}, {pipeline_mode = #tpu.pipeline_mode<synchronous>, transform_indices = @transform_5, window_bounds = array<i64: 128, 128>}, {transform_indices = @transform_6, window_bounds = array<i64: 1000, 128>}]} {
    %get3A = arith.constant 0 : index
    %get3A_0 = arith.constant 0 : index
    %get3A_1 = vector.load %arg4[%get3A, %get3A_0] : memref<1000x1xf32, #tpu.memory_space<vmem>>, vector<1000x1xf32>
    %get3A_2 = arith.constant 0 : index
    %get3A_3 = arith.constant 0 : index
    %get3A_4 = vector.load %arg1[%get3A_2, %get3A_3] : memref<1000x128xf32, #tpu.memory_space<vmem>>, vector<1000x128xf32>
    %get3A_5 = arith.constant 0 : index
    %get3A_6 = arith.constant 0 : index
    %get3A_7 = vector.load %arg2[%get3A_5, %get3A_6] : memref<1000x128xf32, #tpu.memory_space<vmem>>, vector<1000x128xf32>
    %add3A = arith.addf %get3A_4, %get3A_7 : vector<1000x128xf32>
    %get3A_8 = arith.constant 0 : index
    %get3A_9 = arith.constant 0 : index
    %get3A_10 = vector.load %arg3[%get3A_8, %get3A_9] : memref<1000x128xf32, #tpu.memory_space<vmem>>, vector<1000x128xf32>
    %add3A_11 = arith.addf %add3A, %get3A_10 : vector<1000x128xf32>
    %mul3A = vector.broadcast %get3A_1 : vector<1000x1xf32> to vector<1000x128xf32>
    %mul3A_12 = arith.mulf %mul3A, %add3A_11 : vector<1000x128xf32>
    %get3A_13 = arith.constant 0 : index
    %get3A_14 = arith.constant 0 : index
    %get3A_15 = vector.load %arg5[%get3A_13, %get3A_14] : memref<1x128xf32, #tpu.memory_space<vmem>>, vector<1x128xf32>
    %add3A_16 = vector.broadcast %get3A_15 : vector<1x128xf32> to vector<1000x128xf32>
    %add3A_17 = arith.addf %mul3A_12, %add3A_16 : vector<1000x128xf32>
    %max3A = arith.constant 0.000000e+00 : f32
    %max3A_18 = vector.broadcast %max3A : f32 to vector<1000x128xf32>
    %max3A_19 = arith.maximumf %add3A_17, %max3A_18 : vector<1000x128xf32>
    %get3A_20 = arith.constant 0 : index
    %get3A_21 = arith.constant 0 : index
    %get3A_22 = vector.load %arg6[%get3A_20, %get3A_21] : memref<128x128xf32, #tpu.memory_space<vmem>>, vector<128x128xf32>
    %dot_general3A = arith.constant dense<0.000000e+00> : vector<1000x128xf32>
    %dot_general3A_23 = tpu.matmul %max3A_19, %get3A_22, %dot_general3A {dimension_numbers = #tpu.dot_dimension_numbers<[1], [0], [0], [1], [0, 0, 1, 1], [], []>, transpose_lhs_hint = false} : vector<1000x128xf32>, vector<128x128xf32>, vector<1000x128xf32> -> vector<1000x128xf32>
    %mul3A_24 = vector.broadcast %get3A_1 : vector<1000x1xf32> to vector<1000x128xf32>
    %mul3A_25 = arith.mulf %mul3A_24, %dot_general3A_23 : vector<1000x128xf32>
    %swap3A = arith.constant 0 : index
    %swap3A_26 = arith.constant 0 : index
    %swap3A_27 = vector.load %arg7[%swap3A, %swap3A_26] : memref<1000x128xf32, #tpu.memory_space<vmem>>, vector<1000x128xf32>
    tpu.vector_store %arg7[%swap3A, %swap3A_26], %mul3A_25 {strides = array<i32>} : memref<1000x128xf32, #tpu.memory_space<vmem>>, vector<1000x128xf32>,
    return
  }
  func.func @transform_0(%arg0: i32) -> (i32, i32) {
    %c0_i32 = arith.constant 0 : i32
    %c0_i32_0 = arith.constant 0 : i32
    return %arg0, %c0_i32 : i32, i32
  }
  func.func @transform_1(%arg0: i32) -> (i32, i32) {
    %c0_i32 = arith.constant 0 : i32
    %c0_i32_0 = arith.constant 0 : i32
    return %arg0, %c0_i32 : i32, i32
  }
  func.func @transform_2(%arg0: i32) -> (i32, i32) {
    %c0_i32 = arith.constant 0 : i32
    %c0_i32_0 = arith.constant 0 : i32
    return %arg0, %c0_i32 : i32, i32
  }
  func.func @transform_3(%arg0: i32) -> (i32, i32) {
    %c0_i32 = arith.constant 0 : i32
    %c0_i32_0 = arith.constant 0 : i32
    return %arg0, %c0_i32 : i32, i32
  }
  func.func @transform_4(%arg0: i32) -> (i32, i32) {
    %c0_i32 = arith.constant 0 : i32
    %c0_i32_0 = arith.constant 0 : i32
    %c0_i32_1 = arith.constant 0 : i32
    return %c0_i32, %c0_i32_0 : i32, i32
  }
  func.func @transform_5(%arg0: i32) -> (i32, i32) {
    %c0_i32 = arith.constant 0 : i32
    %c0_i32_0 = arith.constant 0 : i32
    %c0_i32_1 = arith.constant 0 : i32
    return %c0_i32, %c0_i32_0 : i32, i32
  }
  func.func @transform_6(%arg0: i32) -> (i32, i32) {
    %c0_i32 = arith.constant 0 : i32
    %c0_i32_0 = arith.constant 0 : i32
    return %arg0, %c0_i32 : i32, i32
  }
}

module attributes {stable_mosaic.version = 14 : i64} {
  func.func @_stage_c_body(%arg0: i32, %arg1: memref<1000x128xf32, #tpu.memory_space<vmem>>, %arg2: memref<1000x128xf32, #tpu.memory_space<vmem>>, %arg3: memref<1000x128xf32, #tpu.memory_space<vmem>>, %arg4: memref<1000x1xf32, #tpu.memory_space<vmem>>, %arg5: memref<1x128xf32, #tpu.memory_space<vmem>>, %arg6: memref<40x128xf32, #tpu.memory_space<vmem>>, %arg7: memref<1x40xf32, #tpu.memory_space<vmem>>, %arg8: memref<1x40xf32, #tpu.memory_space<vmem>>, %arg9: memref<1x128xf32, #tpu.memory_space<vmem>>) attributes {dimension_semantics = [#tpu.dimension_semantics<arbitrary>], iteration_bounds = array<i64: 10>, scalar_prefetch = 0 : i64, scratch_operands = 1 : i64, tpu.core_type = #tpu.core_type<tc>, window_params = [{transform_indices = @transform_0, window_bounds = array<i64: 1000, 128>}, {transform_indices = @transform_1, window_bounds = array<i64: 1000, 128>}, {transform_indices = @transform_2, window_bounds = array<i64: 1000, 128>}, {transform_indices = @transform_3, window_bounds = array<i64: 1000, 1>}, {pipeline_mode = #tpu.pipeline_mode<synchronous>, transform_indices = @transform_4, window_bounds = array<i64: 1, 128>}, {pipeline_mode = #tpu.pipeline_mode<synchronous>, transform_indices = @transform_5, window_bounds = array<i64: 40, 128>}, {pipeline_mode = #tpu.pipeline_mode<synchronous>, transform_indices = @transform_6, window_bounds = array<i64: 1, 40>}, {pipeline_mode = #tpu.pipeline_mode<synchronous>, transform_indices = @transform_7, window_bounds = array<i64: 1, 40>}]} {
    %eq3A = arith.constant 0 : i32
    %eq3A_0 = arith.cmpi eq, %arg0, %eq3A : i32
    %convert_element_type3A = arith.extui %eq3A_0 : i1 to i32
    %cond3A = arith.constant 0 : i32
    %cond3A_1 = arith.cmpi ne, %convert_element_type3A, %cond3A : i32
    scf.if %cond3A_1 {
      %broadcast_in_dim3A_32 = arith.constant 0.000000e+00 : f32
      %broadcast_in_dim3A_33 = vector.broadcast %broadcast_in_dim3A_32 : f32 to vector<1x128xf32>
      %swap3A_34 = arith.constant 0 : index
      %swap3A_35 = arith.constant 0 : index
      %swap3A_36 = vector.load %arg9[%swap3A_34, %swap3A_35] : memref<1x128xf32, #tpu.memory_space<vmem>>, vector<1x128xf32>
      tpu.vector_store %arg9[%swap3A_34, %swap3A_35], %broadcast_in_dim3A_33 {strides = array<i32>} : memref<1x128xf32, #tpu.memory_space<vmem>>, vector<1x128xf32>,
    } else {
    }
    %get3A = arith.constant 0 : index
    %get3A_2 = arith.constant 0 : index
    %get3A_3 = vector.load %arg4[%get3A, %get3A_2] : memref<1000x1xf32, #tpu.memory_space<vmem>>, vector<1000x1xf32>
    %get3A_4 = arith.constant 0 : index
    %get3A_5 = arith.constant 0 : index
    %get3A_6 = vector.load %arg1[%get3A_4, %get3A_5] : memref<1000x128xf32, #tpu.memory_space<vmem>>, vector<1000x128xf32>
    %get3A_7 = arith.constant 0 : index
    %get3A_8 = arith.constant 0 : index
    %get3A_9 = vector.load %arg2[%get3A_7, %get3A_8] : memref<1000x128xf32, #tpu.memory_space<vmem>>, vector<1000x128xf32>
    %add3A = arith.addf %get3A_6, %get3A_9 : vector<1000x128xf32>
    %get3A_10 = arith.constant 0 : index
    %get3A_11 = arith.constant 0 : index
    %get3A_12 = vector.load %arg3[%get3A_10, %get3A_11] : memref<1000x128xf32, #tpu.memory_space<vmem>>, vector<1000x128xf32>
    %add3A_13 = arith.addf %add3A, %get3A_12 : vector<1000x128xf32>
    %mul3A = vector.broadcast %get3A_3 : vector<1000x1xf32> to vector<1000x128xf32>
    %mul3A_14 = arith.mulf %mul3A, %add3A_13 : vector<1000x128xf32>
    %get3A_15 = arith.constant 0 : index
    %get3A_16 = arith.constant 0 : index
    %get3A_17 = vector.load %arg5[%get3A_15, %get3A_16] : memref<1x128xf32, #tpu.memory_space<vmem>>, vector<1x128xf32>
    %add3A_18 = vector.broadcast %get3A_17 : vector<1x128xf32> to vector<1000x128xf32>
    %add3A_19 = arith.addf %mul3A_14, %add3A_18 : vector<1000x128xf32>
    %get3A_20 = arith.constant 0 : index
    %get3A_21 = arith.constant 0 : index
    %get3A_22 = vector.load %arg9[%get3A_20, %get3A_21] : memref<1x128xf32, #tpu.memory_space<vmem>>, vector<1x128xf32>
    %reduce_sum3A = arith.constant dense<0.000000e+00> : vector<128xf32>
    %reduce_sum3A_23 = vector.multi_reduction <add>, %add3A_19, %reduce_sum3A [0] : vector<1000x128xf32> to vector<128xf32>
    %broadcast_in_dim3A = vector.shape_cast %reduce_sum3A_23 : vector<128xf32> to vector<1x128xf32>
    %add3A_24 = arith.addf %get3A_22, %broadcast_in_dim3A : vector<1x128xf32>
    %swap3A = arith.constant 0 : index
    %swap3A_25 = arith.constant 0 : index
    %swap3A_26 = vector.load %arg9[%swap3A, %swap3A_25] : memref<1x128xf32, #tpu.memory_space<vmem>>, vector<1x128xf32>
    tpu.vector_store %arg9[%swap3A, %swap3A_25], %add3A_24 {strides = array<i32>} : memref<1x128xf32, #tpu.memory_space<vmem>>, vector<1x128xf32>,
    %eq3A_27 = arith.constant 9 : i32
    %eq3A_28 = arith.cmpi eq, %arg0, %eq3A_27 : i32
    %convert_element_type3A_29 = arith.extui %eq3A_28 : i1 to i32
    %cond3A_30 = arith.constant 0 : i32
    %cond3A_31 = arith.cmpi ne, %convert_element_type3A_29, %cond3A_30 : i32
    scf.if %cond3A_31 {
      %get3A_32 = arith.constant 0 : index
      %get3A_33 = arith.constant 0 : index
      %get3A_34 = vector.load %arg9[%get3A_32, %get3A_33] : memref<1x128xf32, #tpu.memory_space<vmem>>, vector<1x128xf32>
      %mul3A_35 = arith.constant 9.99999974E-5 : f32
      %mul3A_36 = vector.broadcast %mul3A_35 : f32 to vector<1x128xf32>
      %mul3A_37 = arith.mulf %get3A_34, %mul3A_36 : vector<1x128xf32>
      %get3A_38 = arith.constant 0 : index
      %get3A_39 = arith.constant 0 : index
      %get3A_40 = vector.load %arg6[%get3A_38, %get3A_39] : memref<40x128xf32, #tpu.memory_space<vmem>>, vector<40x128xf32>
      %dot_general3A = arith.constant dense<0.000000e+00> : vector<1x40xf32>
      %dot_general3A_41 = tpu.matmul %mul3A_37, %get3A_40, %dot_general3A {dimension_numbers = #tpu.dot_dimension_numbers<[1], [1], [0], [0], [0, 0, 1, 0], [], []>, transpose_lhs_hint = false} : vector<1x128xf32>, vector<40x128xf32>, vector<1x40xf32> -> vector<1x40xf32>
      %get3A_42 = arith.constant 0 : index
      %get3A_43 = arith.constant 0 : index
      %get3A_44 = vector.load %arg7[%get3A_42, %get3A_43] : memref<1x40xf32, #tpu.memory_space<vmem>>, vector<1x40xf32>
      %add3A_45 = arith.addf %dot_general3A_41, %get3A_44 : vector<1x40xf32>
      %swap3A_46 = arith.constant 0 : index
      %swap3A_47 = arith.constant 0 : index
      %swap3A_48 = vector.load %arg8[%swap3A_46, %swap3A_47] : memref<1x40xf32, #tpu.memory_space<vmem>>, vector<1x40xf32>
      tpu.vector_store %arg8[%swap3A_46, %swap3A_47], %add3A_45 {strides = array<i32>} : memref<1x40xf32, #tpu.memory_space<vmem>>, vector<1x40xf32>,
    } else {
    }
    return
  }
  func.func @transform_0(%arg0: i32) -> (i32, i32) {
    %c0_i32 = arith.constant 0 : i32
    %c0_i32_0 = arith.constant 0 : i32
    return %arg0, %c0_i32 : i32, i32
  }
  func.func @transform_1(%arg0: i32) -> (i32, i32) {
    %c0_i32 = arith.constant 0 : i32
    %c0_i32_0 = arith.constant 0 : i32
    return %arg0, %c0_i32 : i32, i32
  }
  func.func @transform_2(%arg0: i32) -> (i32, i32) {
    %c0_i32 = arith.constant 0 : i32
    %c0_i32_0 = arith.constant 0 : i32
    return %arg0, %c0_i32 : i32, i32
  }
  func.func @transform_3(%arg0: i32) -> (i32, i32) {
    %c0_i32 = arith.constant 0 : i32
    %c0_i32_0 = arith.constant 0 : i32
    return %arg0, %c0_i32 : i32, i32
  }
  func.func @transform_4(%arg0: i32) -> (i32, i32) {
    %c0_i32 = arith.constant 0 : i32
    %c0_i32_0 = arith.constant 0 : i32
    %c0_i32_1 = arith.constant 0 : i32
    return %c0_i32, %c0_i32_0 : i32, i32
  }
  func.func @transform_5(%arg0: i32) -> (i32, i32) {
    %c0_i32 = arith.constant 0 : i32
    %c0_i32_0 = arith.constant 0 : i32
    %c0_i32_1 = arith.constant 0 : i32
    return %c0_i32, %c0_i32_0 : i32, i32
  }
  func.func @transform_6(%arg0: i32) -> (i32, i32) {
    %c0_i32 = arith.constant 0 : i32
    %c0_i32_0 = arith.constant 0 : i32
    %c0_i32_1 = arith.constant 0 : i32
    return %c0_i32, %c0_i32_0 : i32, i32
  }
  func.func @transform_7(%arg0: i32) -> (i32, i32) {
    %c0_i32 = arith.constant 0 : i32
    %c0_i32_0 = arith.constant 0 : i32
    %c0_i32_1 = arith.constant 0 : i32
    return %c0_i32, %c0_i32_0 : i32, i32
  }
}

</mosaic_0001>

<sc_bundles>
// kernel: kernel.11.cloned.1.call-start
scs
__scs_entry_jumppad:
0x0: {  	(pc) =	sbr.rel $0x88, $3  }
0x1: {  	(tag) =	ssettag $0x0;
	lr =	simm.s32 $0x1  }
0x2: {  	[smem:$0x3F99] =	sst lr;
	_ =	strace $0xD0000000  }
0x3: {  	_ = 	snop  }
0x4: {  	_ = 	snop  }
0x5: {  	_ = 	snop  }
0x6: {  	_ = 	snop  }
0x7: {  	_ = 	snop  }
__scs_overlays_trampoline_lowered:
0x8: {  	[smem:$0x3FA8] =	sst s0  }
0x9: {  	[smem:$0x3FA9] =	sst s1  }
0xa: {  	[smem:$0x3FAA] =	sst s2  }
0xb: {  	[smem:$0x3FAB] =	sst s3  }
0xc: {  	[smem:$0x3FAC] =	sst s4  }
0xd: {  	[smem:$0x3FAD] =	sst s5  }
0xe: {  	[smem:$0x3FAE] =	sst s6  }
0xf: {  	[smem:$0x3FAF] =	sst s7  }
0x10: {  	[smem:$0x3FB0] =	sst s8  }
0x11: {  	[smem:$0x3FB1] =	sst s9;
	s0 =	simm.s32 @!p0 $0x0  }
0x12: {  	s1 =	sld [smem:$0x3F97];
	s0 =	simm.s32 @p0 $0x1  }
0x13: {  	[smem:$0x3FB2] =	sst s0;
	s0 =	simm.s32 @!p1 $0x0  }
0x14: {  	s2 =	sld [smem:$0x3F96];
	s0 =	simm.s32 @p1 $0x1  }
0x15: {  	[smem:$0x3FB3] =	sst s0;
	s0 =	simm.s32 @!p2 $0x0  }
0x16: {  	s3 =	sld [smem:$0x3FDB];
	s0 =	simm.s32 @p2 $0x1  }
0x17: {  	s4 =	simm.s32 $0x1BF5;
	[smem:$0x3FB5] =	sst s0  }
0x18: {  	s0 =	sld [smem:$0x3F98];
	_ =	swait.ge [sflag:s4], $0x0  }
0x19: {  	s7 =	sld [smem:$0x3F99]  }
0x1a: {  	s8 =	sadd.s32 $0xFFFFE003, lr  }
0x1b: {  	s9 =	sadd.s32 $0xFFFFFEF7, lr;
	s5 =	simm.s32 $0xFFFFFFFF;
	p2 =	slt.u32 s8, $0xFFFFF086  }
0x1c: {  	p1 =	slt.u32 s9, $0xF7A;
	s5 =	simm.s32 @!p2 $0x0  }
0x1d: {  	s5 =	simm.s32 @p1 $0x1;
	p0 =	seq.s32 s7, s2  }
0x1e: {  	s7 =	smul.u32 @!p0 $0xF7A, s2;
	p2 =	seq.s32 @!p0 s5, $0x0  }
0x1f: {  	s9 =	smul.u32 $0xF7A, s1;
	s8 =	simm.s32 @!p0 $0x1BF5;
	p2 =	por !p2, p0  }
0x20: {  	[sflag:s8] =	ssyncset.s32 @!p0 $0xFFFFF086;
	s6 =	sadd.s32 @!p0 s3, s7;
	s7 =	simm.s32 @!p0 $0x108  }
0x21: {  	s3 =	sadd.s32 s3, s9;
	s6 =	sadd.s32 @!p0 $0x88, s6;
	s7 =	simm.s32 @p2 $0x1082  }
0x22: {  	[simem:s7], [sflag:s8] =	dma.local @!p0 [hbm:s6], $0xF7A  }
0x23: {  	s9 =	sor.u32 $0xD0000000, s2;
	s6 =	simm.s32 $0x108;
	_ =	swait.ge @!p0 [sflag:s8], $0x0  }
0x24: {  	s3 =	sadd.s32 $0x88, s3;
	s6 =	simm.s32 @!p1 $0x1082;
	[sflag:s4] =	ssyncset.s32 $0xFFFFF086  }
0x25: {  	[simem:s6], [sflag:s4] =	dma.local [hbm:s3], $0xF7A  }
0x26: {  	[smem:$0x3F99] =	sst s1;
	(tag) =	ssettag s2;
	_ =	strace s9  }
0x27: {  	s1 =	sld [smem:$0x3FA9]  }
0x28: {  	s2 =	sld [smem:$0x3FAA]  }
0x29: {  	s4 =	sld [smem:$0x3FAC]  }
0x2a: {  	p0 =	seq.s32 s5, $0x0;
	s5 =	sld [smem:$0x3FAD]  }
0x2b: {  	s6 =	sld [smem:$0x3FAE]  }
0x2c: {  	s7 =	sld [smem:$0x3FAF]  }
0x2d: {  	s3 =	simm.s32 $0x108;
	s8 =	sld [smem:$0x3FB0]  }
0x2e: {  	s3 =	simm.s32 @!p0 $0x1082;
	s9 =	sld [smem:$0x3FB1]  }
0x2f: {  	lr =	sadd.s32 s0, s3;
	s0 =	sld [smem:$0x3FA8]  }
0x30: {  	s3 =	sld [smem:$0x3FAB]  }
0x31: {  	[smem:$0x3FB4] =	sst s10  }
0x32: {  	s10 =	sld [smem:$0x3FB2];
	_ =	sdelay $0x3  }
0x33: {  	p0 =	seq.s32 s10, $0x1;
	s10 =	sld [smem:$0x3FB4];
	_ =	sdelay $0x3  }
0x34: {  	[smem:$0x3FB4] =	sst s10  }
0x35: {  	s10 =	sld [smem:$0x3FB3];
	_ =	sdelay $0x3  }
0x36: {  	p1 =	seq.s32 s10, $0x1;
	s10 =	sld [smem:$0x3FB4];
	_ =	sdelay $0x3  }
0x37: {  	[smem:$0x3FB4] =	sst s10  }
0x38: {  	s10 =	sld [smem:$0x3FB5]  }
0x39: {  	_ = 	snop;
	(pc) =	sbr.ind lr, $3  }
0x3a: {  	_ = 	snop  }
0x3b: {  	_ = 	snop  }
0x3c: {  	p2 =	seq.s32 s10, $0x1;
	s10 =	sld [smem:$0x3FB4]  }
0x3d: {  	_ =	shalt  }
0x3e: {  	_ =	shalt  }
0x3f: {  	_ =	shalt  }
0x40: {  	_ =	shalt  }
0x41: {  	_ =	shalt  }
0x42: {  	_ =	shalt  }
0x43: {  	_ =	shalt  }
0x44: {  	_ =	shalt  }
0x45: {  	_ =	shalt  }
0x46: {  	_ =	shalt  }
0x47: {  	_ =	shalt  }
0x48: {  	_ =	shalt  }
0x49: {  	_ =	shalt  }
0x4a: {  	_ =	shalt  }
0x4b: {  	_ =	shalt  }
0x4c: {  	_ =	shalt  }
0x4d: {  	_ =	shalt  }
0x4e: {  	_ =	shalt  }
0x4f: {  	_ =	shalt  }
0x50: {  	_ =	shalt  }
0x51: {  	_ =	shalt  }
0x52: {  	_ =	shalt  }
0x53: {  	_ =	shalt  }
0x54: {  	_ =	shalt  }
0x55: {  	_ =	shalt  }
0x56: {  	_ =	shalt  }
0x57: {  	_ =	shalt  }
0x58: {  	_ =	shalt  }
0x59: {  	_ =	shalt  }
0x5a: {  	_ =	shalt  }
0x5b: {  	_ =	shalt  }
0x5c: {  	_ =	shalt  }
0x5d: {  	_ =	shalt  }
0x5e: {  	_ =	shalt  }
0x5f: {  	_ =	shalt  }
0x60: {  	_ =	shalt  }
0x61: {  	_ =	shalt  }
0x62: {  	_ =	shalt  }
0x63: {  	_ =	shalt  }
0x64: {  	_ =	shalt  }
0x65: {  	_ =	shalt  }
0x66: {  	_ =	shalt  }
0x67: {  	_ =	shalt  }
0x68: {  	_ =	shalt  }
0x69: {  	_ =	shalt  }
0x6a: {  	_ =	shalt  }
0x6b: {  	_ =	shalt  }
0x6c: {  	_ =	shalt  }
0x6d: {  	_ =	shalt  }
0x6e: {  	_ =	shalt  }
0x6f: {  	_ =	shalt  }
0x70: {  	_ =	shalt  }
0x71: {  	_ =	shalt  }
0x72: {  	_ =	shalt  }
0x73: {  	_ =	shalt  }
0x74: {  	_ =	shalt  }
0x75: {  	_ =	shalt  }
0x76: {  	_ =	shalt  }
0x77: {  	_ =	shalt  }
0x78: {  	_ =	shalt  }
0x79: {  	_ =	shalt  }
0x7a: {  	_ =	shalt  }
0x7b: {  	_ =	shalt  }
0x7c: {  	_ =	shalt  }
0x7d: {  	_ =	shalt  }
0x7e: {  	_ =	shalt  }
0x7f: {  	_ =	shalt  }
0x80: {  	_ =	shalt  }
0x81: {  	_ =	shalt  }
0x82: {  	_ =	shalt  }
0x83: {  	_ =	shalt  }
0x84: {  	_ =	shalt  }
0x85: {  	_ =	shalt  }
0x86: {  	_ =	shalt  }
0x87: {  	_ =	shalt  }
.Lfunc_end0:
.L_simem_size_0:
called_computation.1_lowered:
.L_overlay_start_0:
0x88: {  	s2 =	sld [smem:$0x3FD9]  }
0x89: {  	s3 =	sld [smem:$0x3FFE];
	_ =	sdelay $0x1  }
0x8a: {  	s1 =	srdreg.scid  }
0x8b: {  	s0 =	sand.u32 $0x1, s1  }
0x8c: {  	s16 =	sshll.u32 s0, $0xA;
	s2 =	sadd.s32 s3, s2  }
0x8d: {  	s2 =	sadd.s32 s2, s16  }
0x8e: {  	[smem:$0x3FC0] =	sst s2  }
0x8f: {  	_ = 	snop  }
0x90: {  	(tm) =	ssettm $0x1  }
0x91: {  	s17 =	sld [smem:$0x3FFB];
	_ =	sdelay $0x3  }
0x92: {  	_ =	strace s17  }
0x93: {  	s2 =	sld [smem:$0x3FFC];
	_ =	sdelay $0x3  }
0x94: {  	_ =	strace s2  }
0x95: {  	s2 =	sld [smem:$0x3FFD];
	_ =	sdelay $0x3  }
0x96: {  	_ =	strace s2  }
0x97: {  	_ =	strace $0x8FFFFFFF  }
0x98: {  	s18 =	sld [smem:$0x3FDB];
	_ =	sdelay $0x1  }
0x99: {  	s19 =	simm.s32 $_scs_section_size  }
0x9a: {  	s4 =	simm.s32 $_size__tile_overlayer_lowered;
	s5 =	simm.s32 $_tile_overlayer_lowered  }
0x9b: {  	s22 =	simm.s32 $0x1BFF;
	s21 =	sshll.u32 s5, $0x1;
	s2 =	sadd.s32 s19, s18  }
0x9c: {  	s6 =	simm.s32 $0x0;
	s20 =	sshll.u32 s4, $0x1;
	s4 =	sadd.s32 s21, s2  }
0x9d: {  	[timem:s6], [sflag:s22] =	dma.local [hbm:s4], s20  }
0x9e: {  	_ =	swait.ge [sflag:s22], s20  }
0x9f: {  	s3 =	ssub.s32 $0x0, s20;
	[sflag:s22] =	ssyncset.done $0x0  }
0xa0: {  	[sflag:s22] =	ssyncadd.s32 s3;
	_ =	sdelay $0x1  }
0xa1: {  	s23 =	simm.s32 $0x1B8B  }
0xa2: {  	_ =	swait.ge [sflag:s23], $0x1  }
0xa3: {  	[sflag:s23] =	ssyncset.done $0x0  }
0xa4: {  	s25 =	simm.s32 $0x1B8E;
	s24 =	sld [smem:$0x3FFE];
	[sflag:s23] =	ssyncadd.s32 $0xFFFFFFFF  }
0xa5: {  	s26 =	simm.s32 $execute0_lowered;
	[smem:$0x3FD2] =	sst s25  }
0xa6: {  	s4 =	sshll.u32 s26, $0x1;
	_ =	strace $0x80000049;
	[dreg:$0x1] =	wrdreg $0xFFFFFFFF  }
0xa7: {  	s28 =	simm.s32 $_size_execute0_lowered;
	s2 =	sadd.s32 s2, s4;
	[dreg:$0x0] =	wrdreg $0x0  }
0xa8: {  	s4 =	sshll.u32 s28, $0x1;
	[dreg:$0x2] =	wrdreg s2  }
0xa9: {  	[dreg:$0x3] =	wrdreg s4  }
0xaa: {  	[dreg:$0x4] =	wrdreg $0xC0  }
0xab: {  	_ =	task [dreg:s6], $0x5FFFF  }
0xac: {  	[dreg:$0x1] =	wrdreg $0xFFFFFFFF  }
0xad: {  	[dreg:$0x0] =	wrdreg $0x60  }
0xae: {  	[dreg:$0x2] =	wrdreg s24  }
0xaf: {  	[dreg:$0x3] =	wrdreg $0x41000  }
0xb0: {  	[dreg:$0x4] =	wrdreg $0x9  }
0xb1: {  	_ =	task.clear_ibuf [dreg:s6], $0x5FFFF;
	_ =	strace $0x90000049  }
0xb2: {  	s29 =	simm.s32 $0x9;
	_ =	strace $0x8000004B  }
0xb3: {  	_ =	swait.ge [sflag:s29], $0x1  }
0xb4: {  	[sflag:s29] =	ssyncadd.s32 $0xFFFFFFFF  }
0xb5: {  	_ =	strace $0x9000004B  }
0xb6: {  	_ =	sfence  }
0xb7: {  	s30 =	sld [smem:$0x0];
	_ =	sdelay $0x2  }
0xb8: {  	s31 =	sshll.u32 s1, $0xD;
	s1 =	sshrl.u32 s1, $0x2  }
0xb9: {  	s3 =	sand.u32 $0x4000, s31;
	s1 =	sadd.s32 s1, s30  }
0xba: {  	s0 =	sor.u32 s3, s0;
	s1 =	sshll.u32 s1, $0x11  }
0xbb: {  	s0 =	sor.u32 s1, s0  }
0xbc: {  	s0 =	sadd.s32 $0x8F2B, s0  }
0xbd: {  	[sflag:s0] =	ssyncadd.remote.s32 $0x1  }
0xbe: {  	_ =	sfence.sel $0xFFFF  }
0xbf: {  	[dreg:$0x0] =	wrdreg $0xFFFFFFFF;
	(pc) =	sbr.abs _section_cstart, $3  }
0xc0: {  	[dreg:$0x1] =	wrdreg $0xFFFFFFFF  }
0xc1: {  	_ =	task.clear_ibuf [dreg:s6], $0x2FFFF;
	_ =	strace $0x9FFFFFFF  }
0xc2: {  	(tm) =	ssettm $0x7FFFFFFF  }
0xc3: {  	_ =	shalt  }
tec
execute0_lowered:
.L_overlay_start_1:
0x0: {  	(tag) =	ssettag $0x1  }
0x1: {  	s7 =	rddreg [dreg:$0x0]  }
0x2: {  	s2 =	rddreg [dreg:$0x1]  }
0x3: {  	s0 =	rddreg [dreg:$0x2]  }
0x4: {  	s4 =	srdreg.scid;
	s1 =	stileid.u32;
	s3 =	simm.s32 $0x0  }
0x5: {  	s16 =	simm.s32 $0x100;
	s17 =	simm.s32 $0x2;
	s18 =	simm.s32 $0x80  }
0x6: {  	s19 =	simm.s32 $0x1;
	s22 =	simm.s32 $0x0;
	s12 =	sand.u32 $0x1, s4  }
0x7: {  	s6 =	smul.u32 $0x2800, s1;
	[smem:$0x7FF] =	sst s3;
	s4 =	sadd.s32 $0x1BA00, s7  }
0x8: {  	s5 =	sadd.s32 $0xDA00, s7;
	s9 =	smul.u32 $0x50000, s1;
	s20 =	sshll.u32 s1, $0x6  }
0x9: {  	s8 =	smul.u32 $0x28000, s12;
	_ =	strace $0x8000004A;
	s30 =	ssub.s32 $0x2, s12  }
0xa: {  	s10 =	sshll.u32 s12, $0x4;
	p0 =	seq.s32 s12, $0x0;
	s12 =	simm.s32 $0x3500  }
0xb: {  	s20 =	sor.u32 $0x1C02, s20;
	s31 =	sshrl.u32 s30, $0x1;
	s9 =	sshrl.u32 s9, $0x2  }
0xc: {  	s13 =	sor.u32 s1, s10;
	s12 =	simm.s32 @!p0 $0x1980;
	s8 =	sadd.s32 s6, s8  }
0xd: {  	s6 =	sadd.s32 $0x29A00, s7;
	s15 =	ssub.s32 s30, s31;
	s13 =	smul.u32 $0x3800, s13  }
0xe: {  	s14 =	sadd.s32 s8, s7;
	s7 =	sadd.s32 s9, s2;
	s15 =	smax.u32 s15, $0x1  }
0xf: {  	s8 =	sadd.s32 $0x4000, s7;
	s9 =	sadd.s32 $0x8000, s7;
	s10 =	sadd.s32 $0xC000, s7  }
0x10: {  	v0 =	vimm.f32 $0.0e+00;
	s11 =	sadd.s32 $0x10000, s7;
	s14 =	sadd.s32 $0x77E00, s14;
	s21 =	sshrl.u32 s7, $0x3  }
.LBB2_1:
0x11: {  	s23 =	simm.s32 $0x0;
	s24 =	simm.s32 $0x200  }
.LBB2_2:
0x12: {  	p0 =	sne.s32 s24, $0xFE00;
	[tilespmem:s23+$0x170] =	vst v0  }
0x13: {  	[tilespmem:s23+$0x100] =	vst v0  }
0x14: {  	[tilespmem:s23+$0x110] =	vst v0  }
.Ltmp0:
0x15: {  	[tilespmem:s23+$0x120] =	vst v0;
	(pc) =	sbr.rel @p0 .LBB2_2-.Ltmp0, $4  }
0x16: {  	[tilespmem:s23+$0x130] =	vst v0  }
0x17: {  	[tilespmem:s23+$0x140] =	vst v0  }
0x18: {  	[tilespmem:s23+$0x150] =	vst v0  }
0x19: {  	[tilespmem:s23+$0x160] =	vst v0;
	s23 =	sshra.s32 s24, $0x2;
	s24 =	sadd.s32 $0x200, s24  }
0x1a: {  	[tilespmem:s23+$0x170] =	vst v0  }
0x1b: {  	[tilespmem:s23+$0x100] =	vst v0  }
0x1c: {  	[tilespmem:s23+$0x110] =	vst v0  }
0x1d: {  	[tilespmem:s23+$0x120] =	vst v0  }
0x1e: {  	[tilespmem:s23+$0x130] =	vst v0  }
0x1f: {  	[tilespmem:s23+$0x140] =	vst v0  }
0x20: {  	[tilespmem:s23+$0x150] =	vst v0  }
0x21: {  	[tilespmem:s23+$0x160] =	vst v0  }
0x22: {  	[spmem:s7] =	stream.linear.scatter [tilespmem:s16], [sflag:$0x2], $0x4000, $0x38;
	[tilespmem:$0x18100] =	vst v63  }
0x23: {  	_ =	swait.ge [sflag:s17], $0x4000  }
0x24: {  	[sflag:s17] =	ssyncset.done $0x0  }
0x25: {  	[sflag:s17] =	ssyncadd.s32 $0xFFFFC000  }
0x26: {  	[spmem:s8] =	stream.linear.scatter [tilespmem:s16], [sflag:$0x2], $0x4000, $0x38;
	[tilespmem:$0x18100] =	vst v63  }
0x27: {  	_ =	swait.ge [sflag:s17], $0x4000  }
0x28: {  	[sflag:s17] =	ssyncset.done $0x0  }
0x29: {  	[sflag:s17] =	ssyncadd.s32 $0xFFFFC000  }
0x2a: {  	[spmem:s9] =	stream.linear.scatter [tilespmem:s16], [sflag:$0x2], $0x4000, $0x38;
	[tilespmem:$0x18100] =	vst v63  }
0x2b: {  	_ =	swait.ge [sflag:s17], $0x4000  }
0x2c: {  	[sflag:s17] =	ssyncset.done $0x0  }
0x2d: {  	[sflag:s17] =	ssyncadd.s32 $0xFFFFC000  }
0x2e: {  	[spmem:s10] =	stream.linear.scatter [tilespmem:s16], [sflag:$0x2], $0x4000, $0x38;
	[tilespmem:$0x18100] =	vst v63  }
0x2f: {  	_ =	swait.ge [sflag:s17], $0x4000  }
0x30: {  	[sflag:s17] =	ssyncset.done $0x0  }
0x31: {  	p1 =	sne.s32 s12, $0x80;
	[sflag:s17] =	ssyncadd.s32 $0xFFFFC000  }
0x32: {  	[spmem:s11] =	stream.linear.scatter [tilespmem:s16], [sflag:$0x2], $0x4000, $0x38;
	[tilespmem:$0x18100] =	vst v63  }
.Ltmp1:
0x33: {  	_ =	swait.ge [sflag:s17], $0x4000;
	(pc) =	sbr.rel @!p1 .LBB2_6-.Ltmp1, $4  }
0x34: {  	s31 =	simm.s32 $0x0;
	[sflag:s17] =	ssyncset.done $0x0  }
0x35: {  	s24 =	sand.u32 $0xFFFFFC00, s31;
	[sflag:s17] =	ssyncadd.s32 $0xFFFFC000  }
0x36: {  	s23 =	sand.u32 $0x380, s31;
	s25 =	sadd.s32 s13, s24;
	[bflag:$0x0] =	sbarrier.arrive $0xFFFF  }
0x37: {  	p0 =	por $0x0, $0x0;
	s24 =	simm.s32 $0x80;
	s25 =	sor.u32 s23, s25  }
0x38: {  	s23 =	sshrl.u32 s25, $0x3  }
0x39: {  	s25 =	sadd.s32 s4, s23  }
0x3a: {  	[tilespmem:s3], [sflag:$0x2] =	stream.linear.gather [hbm4b:s25+s3], $0x80, $0x38;
	[tilespmem:$0x18100] =	vst v63  }
0x3b: {  	_ =	swait.ge [sflag:s17], $0x80  }
0x3c: {  	[sflag:s17] =	ssyncset.done $0x0  }
0x3d: {  	s23 =	sadd.s32 s5, s23;
	[sflag:s17] =	ssyncadd.s32 $0xFFFFFF80  }
0x3e: {  	[tilespmem:s18], [sflag:$0x2] =	stream.linear.gather [hbm4b:s23+s3], $0x80, $0x38;
	[tilespmem:$0x18100] =	vst v63  }
0x3f: {  	_ =	swait.ge [sflag:s17], $0x80  }
0x40: {  	[sflag:s17] =	ssyncset.done $0x0  }
0x41: {  	[sflag:s17] =	ssyncadd.s32 $0xFFFFFF80  }
0x42: {  	[tilespmem:s16], [sflag:$0x1] =	stream.indirect.gather [hbm4b:s6+s18], $0x80, s3, s18, $0xb8;
	[tilespmem:$0x18100] =	vst v63  }
0x43: {  	p1 =	sne.s32 s12, $0x100;
	_ =	swait.ge [sflag:s19], $0x4000  }
.Ltmp2:
0x44: {  	[sflag:s19] =	ssyncset.done $0x0;
	(pc) =	sbr.rel @!p1 .LBB2_6-.Ltmp2, $4  }
0x45: {  	s30 =	sand.u32 $0xFFFFFC00, s24;
	s31 =	sand.u32 $0x380, s24;
	[sflag:s19] =	ssyncadd.s32 $0xFFFFC000  }
0x46: {  	[spmem:s2] =	stream.indirect.scatter.add.f32 [tilespmem:s16], [sflag:$0x2], $0x80, s18, s18, $0xb8;
	[tilespmem:$0x18100] =	vst v63  }
0x47: {  	p0 =	por $0x1, $0x1;
	s25 =	sadd.s32 s13, s30;
	_ =	swait.ge [sflag:s17], $0x4000  }
0x48: {  	s25 =	sor.u32 s31, s25;
	s23 =	simm.s32 $0x100;
	[sflag:s17] =	ssyncset.done $0x0  }
.LBB2_5:
0x49: {  	s24 =	sshrl.u32 s25, $0x3  }
0x4a: {  	[sflag:s17] =	ssyncadd.s32 $0xFFFFC000;
	s25 =	smov.u32 s23;
	s23 =	sadd.s32 $0x80, s23  }
0x4b: {  	p1 =	sne.s32 s12, s23;
	s26 =	sadd.s32 s4, s24  }
0x4c: {  	[tilespmem:s3], [sflag:$0x2] =	stream.linear.gather [hbm4b:s26+s3], $0x80, $0x38;
	[tilespmem:$0x18100] =	vst v63  }
0x4d: {  	_ =	swait.ge [sflag:s17], $0x80  }
0x4e: {  	[sflag:s17] =	ssyncset.done $0x0  }
0x4f: {  	s24 =	sadd.s32 s5, s24;
	[sflag:s17] =	ssyncadd.s32 $0xFFFFFF80  }
0x50: {  	[tilespmem:s18], [sflag:$0x2] =	stream.linear.gather [hbm4b:s24+s3], $0x80, $0x38;
	[tilespmem:$0x18100] =	vst v63  }
0x51: {  	_ =	swait.ge [sflag:s17], $0x80  }
0x52: {  	[sflag:s17] =	ssyncset.done $0x0  }
0x53: {  	[sflag:s17] =	ssyncadd.s32 $0xFFFFFF80  }
0x54: {  	[tilespmem:s16], [sflag:$0x1] =	stream.indirect.gather [hbm4b:s6+s18], $0x80, s3, s18, $0xb8;
	[tilespmem:$0x18100] =	vst v63  }
0x55: {  	_ =	swait.ge [sflag:s19], $0x4000  }
.Ltmp3:
0x56: {  	[sflag:s19] =	ssyncset.done $0x0;
	(pc) =	sbr.rel @p1 .LBB2_5-.Ltmp3, $4  }
0x57: {  	s24 =	sand.u32 $0xFFFFFC00, s25;
	[sflag:s19] =	ssyncadd.s32 $0xFFFFC000  }
0x58: {  	[spmem:s2] =	stream.indirect.scatter.add.f32 [tilespmem:s16], [sflag:$0x2], $0x80, s18, s18, $0xb8;
	[tilespmem:$0x18100] =	vst v63  }
0x59: {  	s25 =	sand.u32 $0x380, s25;
	s24 =	sadd.s32 s13, s24;
	_ =	swait.ge [sflag:s17], $0x4000  }
0x5a: {  	s25 =	sor.u32 s25, s24;
	[sflag:s17] =	ssyncset.done $0x0  }
.LBB2_6:
0x5b: {  	s23 =	sshrl.u32 s25, $0x3  }
0x5c: {  	[sflag:s17] =	ssyncadd.s32 @p0 $0xFFFFC000;
	s24 =	sadd.s32 s4, s23  }
0x5d: {  	[tilespmem:s3], [sflag:$0x2] =	stream.linear.gather [hbm4b:s24+s3], $0x80, $0x38;
	[tilespmem:$0x18100] =	vst v63  }
0x5e: {  	_ =	swait.ge [sflag:s17], $0x80  }
0x5f: {  	[sflag:s17] =	ssyncset.done $0x0  }
0x60: {  	s23 =	sadd.s32 s5, s23;
	[sflag:s17] =	ssyncadd.s32 $0xFFFFFF80  }
0x61: {  	[tilespmem:s18], [sflag:$0x2] =	stream.linear.gather [hbm4b:s23+s3], $0x80, $0x38;
	[tilespmem:$0x18100] =	vst v63  }
0x62: {  	_ =	swait.ge [sflag:s17], $0x80  }
0x63: {  	[sflag:s17] =	ssyncset.done $0x0  }
0x64: {  	[sflag:s17] =	ssyncadd.s32 $0xFFFFFF80  }
0x65: {  	[tilespmem:s16], [sflag:$0x1] =	stream.indirect.gather [hbm4b:s6+s18], $0x80, s3, s18, $0xb8;
	[tilespmem:$0x18100] =	vst v63  }
0x66: {  	_ =	swait.ge [sflag:s19], $0x4000  }
0x67: {  	[sflag:s19] =	ssyncset.done $0x0  }
0x68: {  	[sflag:s19] =	ssyncadd.s32 $0xFFFFC000  }
0x69: {  	[spmem:s2] =	stream.indirect.scatter.add.f32 [tilespmem:s16], [sflag:$0x2], $0x80, s18, s18, $0xb8;
	[tilespmem:$0x18100] =	vst v63  }
0x6a: {  	_ =	swait.ge [sflag:s17], $0x4000  }
0x6b: {  	s22 =	sadd.s32 $0x1, s22;
	[sflag:s17] =	ssyncset.done $0x0  }
0x6c: {  	p0 =	sne.s32 s22, s15;
	[sflag:s17] =	ssyncadd.s32 $0xFFFFC000  }
.Ltmp4:
0x6d: {  	[bflag:$0x0] =	sbarrier.arrive $0xFFFF;
	(pc) =	sbr.rel @p0 .LBB2_1-.Ltmp4, $4  }
0x6e: {  	[hbm:s14], [sflag:s20] =	dma.local [spmem:s21], $0x2800  }
0x6f: {  	_ =	swait.ge [sflag:s17], $0x2800  }
0x70: {  	[sflag:s17] =	ssyncset.done $0x0  }
0x71: {  	[sflag:s17] =	ssyncadd.s32 $0xFFFFD800  }
0x72: {  	_ =	sfence.sel $0x180000  }
0x73: {  	[bflag:$0x0] =	sbarrier.arrive $0xFFFF  }
0x74: {  	p0 =	sne.s32 s1, $0x0;
	_ =	strace $0x9000004A  }
0x75: {  	s0 =	sadd.s32 @!p0 $0x100000, s0;
	[bflag:$0x2] =	sbarrier.arrive $0xFFFF  }
0x76: {  	[sflag:s0] =	ssyncadd.tile.s32 @!p0 $0x1;
	_ =	shalt  }
.Lfunc_end2:
_tile_overlayer_lowered:
.L_overlay_start_2:
0x77: {  	(tag) =	ssettag $0x2  }
0x78: {  	s0 =	rddreg [dreg:$0x0];
	s2 =	stileid.u32  }
0x79: {  	s1 =	rddreg [dreg:$0x1];
	p0 =	sne.s32 s2, $0x0  }
0x7a: {  	s3 =	rddreg [dreg:$0x2];
	[bflag:$0x3] =	sbarrier.arrive $0xFFFF;
	s2 =	simm.s32 @!p0 $0x1C02  }
0x7b: {  	[timem:s3], [sflag:s2] =	dma.local @!p0 [hbm:s0], s1  }
0x7c: {  	s0 =	simm.s32 @!p0 $0x2  }
0x7d: {  	_ =	swait.ge @!p0 [sflag:s0], s1  }
0x7e: {  	s1 =	ssub.s32 @!p0 $0x0, s1;
	[sflag:s0] =	ssyncset.done @!p0 $0x0  }
0x7f: {  	[sflag:s0] =	ssyncadd.s32 @!p0 s1  }
0x80: {  	[bflag:$0x3] =	sbarrier.arrive $0xFFFF  }
0x81: {  	_ =	shalt  }

// kernel: kernel.14.cloned.1.call-start
scs
__scs_entry_jumppad:
0x0: {  	(pc) =	sbr.rel $0x88, $3  }
0x1: {  	(tag) =	ssettag $0x0;
	lr =	simm.s32 $0x1  }
0x2: {  	[smem:$0x3F99] =	sst lr;
	_ =	strace $0xD0000000  }
0x3: {  	_ = 	snop  }
0x4: {  	_ = 	snop  }
0x5: {  	_ = 	snop  }
0x6: {  	_ = 	snop  }
0x7: {  	_ = 	snop  }
__scs_overlays_trampoline_lowered:
0x8: {  	[smem:$0x3FA8] =	sst s0  }
0x9: {  	[smem:$0x3FA9] =	sst s1  }
0xa: {  	[smem:$0x3FAA] =	sst s2  }
0xb: {  	[smem:$0x3FAB] =	sst s3  }
0xc: {  	[smem:$0x3FAC] =	sst s4  }
0xd: {  	[smem:$0x3FAD] =	sst s5  }
0xe: {  	[smem:$0x3FAE] =	sst s6  }
0xf: {  	[smem:$0x3FAF] =	sst s7  }
0x10: {  	[smem:$0x3FB0] =	sst s8  }
0x11: {  	[smem:$0x3FB1] =	sst s9;
	s0 =	simm.s32 @!p0 $0x0  }
0x12: {  	s1 =	sld [smem:$0x3F97];
	s0 =	simm.s32 @p0 $0x1  }
0x13: {  	[smem:$0x3FB2] =	sst s0;
	s0 =	simm.s32 @!p1 $0x0  }
0x14: {  	s2 =	sld [smem:$0x3F96];
	s0 =	simm.s32 @p1 $0x1  }
0x15: {  	[smem:$0x3FB3] =	sst s0;
	s0 =	simm.s32 @!p2 $0x0  }
0x16: {  	s3 =	sld [smem:$0x3FDB];
	s0 =	simm.s32 @p2 $0x1  }
0x17: {  	s4 =	simm.s32 $0x1BF5;
	[smem:$0x3FB5] =	sst s0  }
0x18: {  	s0 =	sld [smem:$0x3F98];
	_ =	swait.ge [sflag:s4], $0x0  }
0x19: {  	s7 =	sld [smem:$0x3F99]  }
0x1a: {  	s8 =	sadd.s32 $0xFFFFE003, lr  }
0x1b: {  	s9 =	sadd.s32 $0xFFFFFEF7, lr;
	s5 =	simm.s32 $0xFFFFFFFF;
	p2 =	slt.u32 s8, $0xFFFFF086  }
0x1c: {  	p1 =	slt.u32 s9, $0xF7A;
	s5 =	simm.s32 @!p2 $0x0  }
0x1d: {  	s5 =	simm.s32 @p1 $0x1;
	p0 =	seq.s32 s7, s2  }
0x1e: {  	s7 =	smul.u32 @!p0 $0xF7A, s2;
	p2 =	seq.s32 @!p0 s5, $0x0  }
0x1f: {  	s9 =	smul.u32 $0xF7A, s1;
	s8 =	simm.s32 @!p0 $0x1BF5;
	p2 =	por !p2, p0  }
0x20: {  	[sflag:s8] =	ssyncset.s32 @!p0 $0xFFFFF086;
	s6 =	sadd.s32 @!p0 s3, s7;
	s7 =	simm.s32 @!p0 $0x108  }
0x21: {  	s3 =	sadd.s32 s3, s9;
	s6 =	sadd.s32 @!p0 $0x88, s6;
	s7 =	simm.s32 @p2 $0x1082  }
0x22: {  	[simem:s7], [sflag:s8] =	dma.local @!p0 [hbm:s6], $0xF7A  }
0x23: {  	s9 =	sor.u32 $0xD0000000, s2;
	s6 =	simm.s32 $0x108;
	_ =	swait.ge @!p0 [sflag:s8], $0x0  }
0x24: {  	s3 =	sadd.s32 $0x88, s3;
	s6 =	simm.s32 @!p1 $0x1082;
	[sflag:s4] =	ssyncset.s32 $0xFFFFF086  }
0x25: {  	[simem:s6], [sflag:s4] =	dma.local [hbm:s3], $0xF7A  }
0x26: {  	[smem:$0x3F99] =	sst s1;
	(tag) =	ssettag s2;
	_ =	strace s9  }
0x27: {  	s1 =	sld [smem:$0x3FA9]  }
0x28: {  	s2 =	sld [smem:$0x3FAA]  }
0x29: {  	s4 =	sld [smem:$0x3FAC]  }
0x2a: {  	p0 =	seq.s32 s5, $0x0;
	s5 =	sld [smem:$0x3FAD]  }
0x2b: {  	s6 =	sld [smem:$0x3FAE]  }
0x2c: {  	s7 =	sld [smem:$0x3FAF]  }
0x2d: {  	s3 =	simm.s32 $0x108;
	s8 =	sld [smem:$0x3FB0]  }
0x2e: {  	s3 =	simm.s32 @!p0 $0x1082;
	s9 =	sld [smem:$0x3FB1]  }
0x2f: {  	lr =	sadd.s32 s0, s3;
	s0 =	sld [smem:$0x3FA8]  }
0x30: {  	s3 =	sld [smem:$0x3FAB]  }
0x31: {  	[smem:$0x3FB4] =	sst s10  }
0x32: {  	s10 =	sld [smem:$0x3FB2];
	_ =	sdelay $0x3  }
0x33: {  	p0 =	seq.s32 s10, $0x1;
	s10 =	sld [smem:$0x3FB4];
	_ =	sdelay $0x3  }
0x34: {  	[smem:$0x3FB4] =	sst s10  }
0x35: {  	s10 =	sld [smem:$0x3FB3];
	_ =	sdelay $0x3  }
0x36: {  	p1 =	seq.s32 s10, $0x1;
	s10 =	sld [smem:$0x3FB4];
	_ =	sdelay $0x3  }
0x37: {  	[smem:$0x3FB4] =	sst s10  }
0x38: {  	s10 =	sld [smem:$0x3FB5]  }
0x39: {  	_ = 	snop;
	(pc) =	sbr.ind lr, $3  }
0x3a: {  	_ = 	snop  }
0x3b: {  	_ = 	snop  }
0x3c: {  	p2 =	seq.s32 s10, $0x1;
	s10 =	sld [smem:$0x3FB4]  }
0x3d: {  	_ =	shalt  }
0x3e: {  	_ =	shalt  }
0x3f: {  	_ =	shalt  }
0x40: {  	_ =	shalt  }
0x41: {  	_ =	shalt  }
0x42: {  	_ =	shalt  }
0x43: {  	_ =	shalt  }
0x44: {  	_ =	shalt  }
0x45: {  	_ =	shalt  }
0x46: {  	_ =	shalt  }
0x47: {  	_ =	shalt  }
0x48: {  	_ =	shalt  }
0x49: {  	_ =	shalt  }
0x4a: {  	_ =	shalt  }
0x4b: {  	_ =	shalt  }
0x4c: {  	_ =	shalt  }
0x4d: {  	_ =	shalt  }
0x4e: {  	_ =	shalt  }
0x4f: {  	_ =	shalt  }
0x50: {  	_ =	shalt  }
0x51: {  	_ =	shalt  }
0x52: {  	_ =	shalt  }
0x53: {  	_ =	shalt  }
0x54: {  	_ =	shalt  }
0x55: {  	_ =	shalt  }
0x56: {  	_ =	shalt  }
0x57: {  	_ =	shalt  }
0x58: {  	_ =	shalt  }
0x59: {  	_ =	shalt  }
0x5a: {  	_ =	shalt  }
0x5b: {  	_ =	shalt  }
0x5c: {  	_ =	shalt  }
0x5d: {  	_ =	shalt  }
0x5e: {  	_ =	shalt  }
0x5f: {  	_ =	shalt  }
0x60: {  	_ =	shalt  }
0x61: {  	_ =	shalt  }
0x62: {  	_ =	shalt  }
0x63: {  	_ =	shalt  }
0x64: {  	_ =	shalt  }
0x65: {  	_ =	shalt  }
0x66: {  	_ =	shalt  }
0x67: {  	_ =	shalt  }
0x68: {  	_ =	shalt  }
0x69: {  	_ =	shalt  }
0x6a: {  	_ =	shalt  }
0x6b: {  	_ =	shalt  }
0x6c: {  	_ =	shalt  }
0x6d: {  	_ =	shalt  }
0x6e: {  	_ =	shalt  }
0x6f: {  	_ =	shalt  }
0x70: {  	_ =	shalt  }
0x71: {  	_ =	shalt  }
0x72: {  	_ =	shalt  }
0x73: {  	_ =	shalt  }
0x74: {  	_ =	shalt  }
0x75: {  	_ =	shalt  }
0x76: {  	_ =	shalt  }
0x77: {  	_ =	shalt  }
0x78: {  	_ =	shalt  }
0x79: {  	_ =	shalt  }
0x7a: {  	_ =	shalt  }
0x7b: {  	_ =	shalt  }
0x7c: {  	_ =	shalt  }
0x7d: {  	_ =	shalt  }
0x7e: {  	_ =	shalt  }
0x7f: {  	_ =	shalt  }
0x80: {  	_ =	shalt  }
0x81: {  	_ =	shalt  }
0x82: {  	_ =	shalt  }
0x83: {  	_ =	shalt  }
0x84: {  	_ =	shalt  }
0x85: {  	_ =	shalt  }
0x86: {  	_ =	shalt  }
0x87: {  	_ =	shalt  }
.Lfunc_end0:
.L_simem_size_0:
called_computation.2_lowered:
.L_overlay_start_0:
0x88: {  	s2 =	sld [smem:$0x3FD9]  }
0x89: {  	s3 =	sld [smem:$0x3FFE];
	_ =	sdelay $0x1  }
0x8a: {  	s1 =	srdreg.scid  }
0x8b: {  	s0 =	sand.u32 $0x1, s1  }
0x8c: {  	s16 =	sshll.u32 s0, $0xA;
	s2 =	sadd.s32 s3, s2  }
0x8d: {  	s2 =	sadd.s32 s2, s16  }
0x8e: {  	[smem:$0x3FC0] =	sst s2  }
0x8f: {  	_ = 	snop  }
0x90: {  	(tm) =	ssettm $0x1  }
0x91: {  	s17 =	sld [smem:$0x3FFB];
	_ =	sdelay $0x3  }
0x92: {  	_ =	strace s17  }
0x93: {  	s2 =	sld [smem:$0x3FFC];
	_ =	sdelay $0x3  }
0x94: {  	_ =	strace s2  }
0x95: {  	s2 =	sld [smem:$0x3FFD];
	_ =	sdelay $0x3  }
0x96: {  	_ =	strace s2  }
0x97: {  	_ =	strace $0x8FFFFFFF  }
0x98: {  	s18 =	sld [smem:$0x3FDB];
	_ =	sdelay $0x1  }
0x99: {  	s19 =	simm.s32 $_scs_section_size  }
0x9a: {  	s4 =	simm.s32 $_size__tile_overlayer_lowered;
	s5 =	simm.s32 $_tile_overlayer_lowered  }
0x9b: {  	s22 =	simm.s32 $0x1BFF;
	s21 =	sshll.u32 s5, $0x1;
	s2 =	sadd.s32 s19, s18  }
0x9c: {  	s6 =	simm.s32 $0x0;
	s20 =	sshll.u32 s4, $0x1;
	s4 =	sadd.s32 s21, s2  }
0x9d: {  	[timem:s6], [sflag:s22] =	dma.local [hbm:s4], s20  }
0x9e: {  	_ =	swait.ge [sflag:s22], s20  }
0x9f: {  	s3 =	ssub.s32 $0x0, s20;
	[sflag:s22] =	ssyncset.done $0x0  }
0xa0: {  	[sflag:s22] =	ssyncadd.s32 s3;
	_ =	sdelay $0x1  }
0xa1: {  	s23 =	simm.s32 $0x1B8B  }
0xa2: {  	_ =	swait.ge [sflag:s23], $0x1  }
0xa3: {  	[sflag:s23] =	ssyncset.done $0x0  }
0xa4: {  	s25 =	simm.s32 $0x1B8E;
	s24 =	sld [smem:$0x3FFE];
	[sflag:s23] =	ssyncadd.s32 $0xFFFFFFFF  }
0xa5: {  	s26 =	simm.s32 $execute0_lowered;
	[smem:$0x3FD2] =	sst s25  }
0xa6: {  	s4 =	sshll.u32 s26, $0x1;
	_ =	strace $0x8000004C;
	[dreg:$0x1] =	wrdreg $0xFFFFFFFF  }
0xa7: {  	s28 =	simm.s32 $_size_execute0_lowered;
	s2 =	sadd.s32 s2, s4;
	[dreg:$0x0] =	wrdreg $0x0  }
0xa8: {  	s4 =	sshll.u32 s28, $0x1;
	[dreg:$0x2] =	wrdreg s2  }
0xa9: {  	[dreg:$0x3] =	wrdreg s4  }
0xaa: {  	[dreg:$0x4] =	wrdreg $0xC0  }
0xab: {  	_ =	task [dreg:s6], $0x5FFFF  }
0xac: {  	[dreg:$0x1] =	wrdreg $0xFFFFFFFF  }
0xad: {  	[dreg:$0x0] =	wrdreg $0x60  }
0xae: {  	[dreg:$0x2] =	wrdreg s24  }
0xaf: {  	[dreg:$0x3] =	wrdreg $0x41000  }
0xb0: {  	[dreg:$0x4] =	wrdreg $0x9  }
0xb1: {  	_ =	task.clear_ibuf [dreg:s6], $0x5FFFF;
	_ =	strace $0x9000004C  }
0xb2: {  	s29 =	simm.s32 $0x9;
	_ =	strace $0x8000004E  }
0xb3: {  	_ =	swait.ge [sflag:s29], $0x1  }
0xb4: {  	[sflag:s29] =	ssyncadd.s32 $0xFFFFFFFF  }
0xb5: {  	_ =	strace $0x9000004E  }
0xb6: {  	_ =	sfence  }
0xb7: {  	s30 =	sld [smem:$0x0];
	_ =	sdelay $0x2  }
0xb8: {  	s31 =	sshll.u32 s1, $0xD;
	s1 =	sshrl.u32 s1, $0x2  }
0xb9: {  	s3 =	sand.u32 $0x4000, s31;
	s1 =	sadd.s32 s1, s30  }
0xba: {  	s0 =	sor.u32 s3, s0;
	s1 =	sshll.u32 s1, $0x11  }
0xbb: {  	s0 =	sor.u32 s1, s0  }
0xbc: {  	s0 =	sadd.s32 $0x8F2B, s0  }
0xbd: {  	[sflag:s0] =	ssyncadd.remote.s32 $0x1  }
0xbe: {  	_ =	sfence.sel $0xFFFF  }
0xbf: {  	[dreg:$0x0] =	wrdreg $0xFFFFFFFF;
	(pc) =	sbr.abs _section_cstart, $3  }
0xc0: {  	[dreg:$0x1] =	wrdreg $0xFFFFFFFF  }
0xc1: {  	_ =	task.clear_ibuf [dreg:s6], $0x2FFFF;
	_ =	strace $0x9FFFFFFF  }
0xc2: {  	(tm) =	ssettm $0x7FFFFFFF  }
0xc3: {  	_ =	shalt  }
tec
execute0_lowered:
.L_overlay_start_1:
0x0: {  	(tag) =	ssettag $0x1  }
0x1: {  	s7 =	rddreg [dreg:$0x0]  }
0x2: {  	s2 =	rddreg [dreg:$0x1]  }
0x3: {  	s0 =	rddreg [dreg:$0x2]  }
0x4: {  	s4 =	srdreg.scid;
	s1 =	stileid.u32;
	s3 =	simm.s32 $0x0  }
0x5: {  	s16 =	simm.s32 $0x100;
	s17 =	simm.s32 $0x2;
	s18 =	simm.s32 $0x80  }
0x6: {  	s19 =	simm.s32 $0x1;
	s22 =	simm.s32 $0x0;
	s12 =	sand.u32 $0x1, s4  }
0x7: {  	s6 =	smul.u32 $0x2800, s1;
	[smem:$0x7FF] =	sst s3;
	s4 =	sadd.s32 $0x1BA00, s7  }
0x8: {  	s5 =	sadd.s32 $0xDA00, s7;
	s9 =	smul.u32 $0x50000, s1;
	s20 =	sshll.u32 s1, $0x6  }
0x9: {  	s8 =	smul.u32 $0x28000, s12;
	_ =	strace $0x8000004D;
	s30 =	ssub.s32 $0x2, s12  }
0xa: {  	s10 =	sshll.u32 s12, $0x4;
	p0 =	seq.s32 s12, $0x0;
	s12 =	simm.s32 $0x3500  }
0xb: {  	s20 =	sor.u32 $0x1C02, s20;
	s31 =	sshrl.u32 s30, $0x1;
	s9 =	sshrl.u32 s9, $0x2  }
0xc: {  	s13 =	sor.u32 s1, s10;
	s12 =	simm.s32 @!p0 $0x1980;
	s8 =	sadd.s32 s6, s8  }
0xd: {  	s6 =	sadd.s32 $0x29A00, s7;
	s15 =	ssub.s32 s30, s31;
	s13 =	smul.u32 $0x3800, s13  }
0xe: {  	s14 =	sadd.s32 s8, s7;
	s7 =	sadd.s32 s9, s2;
	s15 =	smax.u32 s15, $0x1  }
0xf: {  	s8 =	sadd.s32 $0x4000, s7;
	s9 =	sadd.s32 $0x8000, s7;
	s10 =	sadd.s32 $0xC000, s7  }
0x10: {  	v0 =	vimm.f32 $0.0e+00;
	s11 =	sadd.s32 $0x10000, s7;
	s14 =	sadd.s32 $0x77E00, s14;
	s21 =	sshrl.u32 s7, $0x3  }
.LBB2_1:
0x11: {  	s23 =	simm.s32 $0x0;
	s24 =	simm.s32 $0x200  }
.LBB2_2:
0x12: {  	p0 =	sne.s32 s24, $0xFE00;
	[tilespmem:s23+$0x170] =	vst v0  }
0x13: {  	[tilespmem:s23+$0x100] =	vst v0  }
0x14: {  	[tilespmem:s23+$0x110] =	vst v0  }
.Ltmp0:
0x15: {  	[tilespmem:s23+$0x120] =	vst v0;
	(pc) =	sbr.rel @p0 .LBB2_2-.Ltmp0, $4  }
0x16: {  	[tilespmem:s23+$0x130] =	vst v0  }
0x17: {  	[tilespmem:s23+$0x140] =	vst v0  }
0x18: {  	[tilespmem:s23+$0x150] =	vst v0  }
0x19: {  	[tilespmem:s23+$0x160] =	vst v0;
	s23 =	sshra.s32 s24, $0x2;
	s24 =	sadd.s32 $0x200, s24  }
0x1a: {  	[tilespmem:s23+$0x170] =	vst v0  }
0x1b: {  	[tilespmem:s23+$0x100] =	vst v0  }
0x1c: {  	[tilespmem:s23+$0x110] =	vst v0  }
0x1d: {  	[tilespmem:s23+$0x120] =	vst v0  }
0x1e: {  	[tilespmem:s23+$0x130] =	vst v0  }
0x1f: {  	[tilespmem:s23+$0x140] =	vst v0  }
0x20: {  	[tilespmem:s23+$0x150] =	vst v0  }
0x21: {  	[tilespmem:s23+$0x160] =	vst v0  }
0x22: {  	[spmem:s7] =	stream.linear.scatter [tilespmem:s16], [sflag:$0x2], $0x4000, $0x38;
	[tilespmem:$0x18100] =	vst v63  }
0x23: {  	_ =	swait.ge [sflag:s17], $0x4000  }
0x24: {  	[sflag:s17] =	ssyncset.done $0x0  }
0x25: {  	[sflag:s17] =	ssyncadd.s32 $0xFFFFC000  }
0x26: {  	[spmem:s8] =	stream.linear.scatter [tilespmem:s16], [sflag:$0x2], $0x4000, $0x38;
	[tilespmem:$0x18100] =	vst v63  }
0x27: {  	_ =	swait.ge [sflag:s17], $0x4000  }
0x28: {  	[sflag:s17] =	ssyncset.done $0x0  }
0x29: {  	[sflag:s17] =	ssyncadd.s32 $0xFFFFC000  }
0x2a: {  	[spmem:s9] =	stream.linear.scatter [tilespmem:s16], [sflag:$0x2], $0x4000, $0x38;
	[tilespmem:$0x18100] =	vst v63  }
0x2b: {  	_ =	swait.ge [sflag:s17], $0x4000  }
0x2c: {  	[sflag:s17] =	ssyncset.done $0x0  }
0x2d: {  	[sflag:s17] =	ssyncadd.s32 $0xFFFFC000  }
0x2e: {  	[spmem:s10] =	stream.linear.scatter [tilespmem:s16], [sflag:$0x2], $0x4000, $0x38;
	[tilespmem:$0x18100] =	vst v63  }
0x2f: {  	_ =	swait.ge [sflag:s17], $0x4000  }
0x30: {  	[sflag:s17] =	ssyncset.done $0x0  }
0x31: {  	p1 =	sne.s32 s12, $0x80;
	[sflag:s17] =	ssyncadd.s32 $0xFFFFC000  }
0x32: {  	[spmem:s11] =	stream.linear.scatter [tilespmem:s16], [sflag:$0x2], $0x4000, $0x38;
	[tilespmem:$0x18100] =	vst v63  }
.Ltmp1:
0x33: {  	_ =	swait.ge [sflag:s17], $0x4000;
	(pc) =	sbr.rel @!p1 .LBB2_6-.Ltmp1, $4  }
0x34: {  	s31 =	simm.s32 $0x0;
	[sflag:s17] =	ssyncset.done $0x0  }
0x35: {  	s24 =	sand.u32 $0xFFFFFC00, s31;
	[sflag:s17] =	ssyncadd.s32 $0xFFFFC000  }
0x36: {  	s23 =	sand.u32 $0x380, s31;
	s25 =	sadd.s32 s13, s24;
	[bflag:$0x0] =	sbarrier.arrive $0xFFFF  }
0x37: {  	p0 =	por $0x0, $0x0;
	s24 =	simm.s32 $0x80;
	s25 =	sor.u32 s23, s25  }
0x38: {  	s23 =	sshrl.u32 s25, $0x3  }
0x39: {  	s25 =	sadd.s32 s4, s23  }
0x3a: {  	[tilespmem:s3], [sflag:$0x2] =	stream.linear.gather [hbm4b:s25+s3], $0x80, $0x38;
	[tilespmem:$0x18100] =	vst v63  }
0x3b: {  	_ =	swait.ge [sflag:s17], $0x80  }
0x3c: {  	[sflag:s17] =	ssyncset.done $0x0  }
0x3d: {  	s23 =	sadd.s32 s5, s23;
	[sflag:s17] =	ssyncadd.s32 $0xFFFFFF80  }
0x3e: {  	[tilespmem:s18], [sflag:$0x2] =	stream.linear.gather [hbm4b:s23+s3], $0x80, $0x38;
	[tilespmem:$0x18100] =	vst v63  }
0x3f: {  	_ =	swait.ge [sflag:s17], $0x80  }
0x40: {  	[sflag:s17] =	ssyncset.done $0x0  }
0x41: {  	[sflag:s17] =	ssyncadd.s32 $0xFFFFFF80  }
0x42: {  	[tilespmem:s16], [sflag:$0x1] =	stream.indirect.gather [hbm4b:s6+s18], $0x80, s3, s18, $0xb8;
	[tilespmem:$0x18100] =	vst v63  }
0x43: {  	p1 =	sne.s32 s12, $0x100;
	_ =	swait.ge [sflag:s19], $0x4000  }
.Ltmp2:
0x44: {  	[sflag:s19] =	ssyncset.done $0x0;
	(pc) =	sbr.rel @!p1 .LBB2_6-.Ltmp2, $4  }
0x45: {  	s30 =	sand.u32 $0xFFFFFC00, s24;
	s31 =	sand.u32 $0x380, s24;
	[sflag:s19] =	ssyncadd.s32 $0xFFFFC000  }
0x46: {  	[spmem:s2] =	stream.indirect.scatter.add.f32 [tilespmem:s16], [sflag:$0x2], $0x80, s18, s18, $0xb8;
	[tilespmem:$0x18100] =	vst v63  }
0x47: {  	p0 =	por $0x1, $0x1;
	s25 =	sadd.s32 s13, s30;
	_ =	swait.ge [sflag:s17], $0x4000  }
0x48: {  	s25 =	sor.u32 s31, s25;
	s23 =	simm.s32 $0x100;
	[sflag:s17] =	ssyncset.done $0x0  }
.LBB2_5:
0x49: {  	s24 =	sshrl.u32 s25, $0x3  }
0x4a: {  	[sflag:s17] =	ssyncadd.s32 $0xFFFFC000;
	s25 =	smov.u32 s23;
	s23 =	sadd.s32 $0x80, s23  }
0x4b: {  	p1 =	sne.s32 s12, s23;
	s26 =	sadd.s32 s4, s24  }
0x4c: {  	[tilespmem:s3], [sflag:$0x2] =	stream.linear.gather [hbm4b:s26+s3], $0x80, $0x38;
	[tilespmem:$0x18100] =	vst v63  }
0x4d: {  	_ =	swait.ge [sflag:s17], $0x80  }
0x4e: {  	[sflag:s17] =	ssyncset.done $0x0  }
0x4f: {  	s24 =	sadd.s32 s5, s24;
	[sflag:s17] =	ssyncadd.s32 $0xFFFFFF80  }
0x50: {  	[tilespmem:s18], [sflag:$0x2] =	stream.linear.gather [hbm4b:s24+s3], $0x80, $0x38;
	[tilespmem:$0x18100] =	vst v63  }
0x51: {  	_ =	swait.ge [sflag:s17], $0x80  }
0x52: {  	[sflag:s17] =	ssyncset.done $0x0  }
0x53: {  	[sflag:s17] =	ssyncadd.s32 $0xFFFFFF80  }
0x54: {  	[tilespmem:s16], [sflag:$0x1] =	stream.indirect.gather [hbm4b:s6+s18], $0x80, s3, s18, $0xb8;
	[tilespmem:$0x18100] =	vst v63  }
0x55: {  	_ =	swait.ge [sflag:s19], $0x4000  }
.Ltmp3:
0x56: {  	[sflag:s19] =	ssyncset.done $0x0;
	(pc) =	sbr.rel @p1 .LBB2_5-.Ltmp3, $4  }
0x57: {  	s24 =	sand.u32 $0xFFFFFC00, s25;
	[sflag:s19] =	ssyncadd.s32 $0xFFFFC000  }
0x58: {  	[spmem:s2] =	stream.indirect.scatter.add.f32 [tilespmem:s16], [sflag:$0x2], $0x80, s18, s18, $0xb8;
	[tilespmem:$0x18100] =	vst v63  }
0x59: {  	s25 =	sand.u32 $0x380, s25;
	s24 =	sadd.s32 s13, s24;
	_ =	swait.ge [sflag:s17], $0x4000  }
0x5a: {  	s25 =	sor.u32 s25, s24;
	[sflag:s17] =	ssyncset.done $0x0  }
.LBB2_6:
0x5b: {  	s23 =	sshrl.u32 s25, $0x3  }
0x5c: {  	[sflag:s17] =	ssyncadd.s32 @p0 $0xFFFFC000;
	s24 =	sadd.s32 s4, s23  }
0x5d: {  	[tilespmem:s3], [sflag:$0x2] =	stream.linear.gather [hbm4b:s24+s3], $0x80, $0x38;
	[tilespmem:$0x18100] =	vst v63  }
0x5e: {  	_ =	swait.ge [sflag:s17], $0x80  }
0x5f: {  	[sflag:s17] =	ssyncset.done $0x0  }
0x60: {  	s23 =	sadd.s32 s5, s23;
	[sflag:s17] =	ssyncadd.s32 $0xFFFFFF80  }
0x61: {  	[tilespmem:s18], [sflag:$0x2] =	stream.linear.gather [hbm4b:s23+s3], $0x80, $0x38;
	[tilespmem:$0x18100] =	vst v63  }
0x62: {  	_ =	swait.ge [sflag:s17], $0x80  }
0x63: {  	[sflag:s17] =	ssyncset.done $0x0  }
0x64: {  	[sflag:s17] =	ssyncadd.s32 $0xFFFFFF80  }
0x65: {  	[tilespmem:s16], [sflag:$0x1] =	stream.indirect.gather [hbm4b:s6+s18], $0x80, s3, s18, $0xb8;
	[tilespmem:$0x18100] =	vst v63  }
0x66: {  	_ =	swait.ge [sflag:s19], $0x4000  }
0x67: {  	[sflag:s19] =	ssyncset.done $0x0  }
0x68: {  	[sflag:s19] =	ssyncadd.s32 $0xFFFFC000  }
0x69: {  	[spmem:s2] =	stream.indirect.scatter.add.f32 [tilespmem:s16], [sflag:$0x2], $0x80, s18, s18, $0xb8;
	[tilespmem:$0x18100] =	vst v63  }
0x6a: {  	_ =	swait.ge [sflag:s17], $0x4000  }
0x6b: {  	s22 =	sadd.s32 $0x1, s22;
	[sflag:s17] =	ssyncset.done $0x0  }
0x6c: {  	p0 =	sne.s32 s22, s15;
	[sflag:s17] =	ssyncadd.s32 $0xFFFFC000  }
.Ltmp4:
0x6d: {  	[bflag:$0x0] =	sbarrier.arrive $0xFFFF;
	(pc) =	sbr.rel @p0 .LBB2_1-.Ltmp4, $4  }
0x6e: {  	[hbm:s14], [sflag:s20] =	dma.local [spmem:s21], $0x2800  }
0x6f: {  	_ =	swait.ge [sflag:s17], $0x2800  }
0x70: {  	[sflag:s17] =	ssyncset.done $0x0  }
0x71: {  	[sflag:s17] =	ssyncadd.s32 $0xFFFFD800  }
0x72: {  	_ =	sfence.sel $0x180000  }
0x73: {  	[bflag:$0x0] =	sbarrier.arrive $0xFFFF  }
0x74: {  	p0 =	sne.s32 s1, $0x0;
	_ =	strace $0x9000004D  }
0x75: {  	s0 =	sadd.s32 @!p0 $0x100000, s0;
	[bflag:$0x2] =	sbarrier.arrive $0xFFFF  }
0x76: {  	[sflag:s0] =	ssyncadd.tile.s32 @!p0 $0x1;
	_ =	shalt  }
.Lfunc_end2:
_tile_overlayer_lowered:
.L_overlay_start_2:
0x77: {  	(tag) =	ssettag $0x2  }
0x78: {  	s0 =	rddreg [dreg:$0x0];
	s2 =	stileid.u32  }
0x79: {  	s1 =	rddreg [dreg:$0x1];
	p0 =	sne.s32 s2, $0x0  }
0x7a: {  	s3 =	rddreg [dreg:$0x2];
	[bflag:$0x3] =	sbarrier.arrive $0xFFFF;
	s2 =	simm.s32 @!p0 $0x1C02  }
0x7b: {  	[timem:s3], [sflag:s2] =	dma.local @!p0 [hbm:s0], s1  }
0x7c: {  	s0 =	simm.s32 @!p0 $0x2  }
0x7d: {  	_ =	swait.ge @!p0 [sflag:s0], s1  }
0x7e: {  	s1 =	ssub.s32 @!p0 $0x0, s1;
	[sflag:s0] =	ssyncset.done @!p0 $0x0  }
0x7f: {  	[sflag:s0] =	ssyncadd.s32 @!p0 s1  }
0x80: {  	[bflag:$0x3] =	sbarrier.arrive $0xFFFF  }
0x81: {  	_ =	shalt  }

// kernel: kernel.8.cloned.1.call-start
scs
__scs_entry_jumppad:
0x0: {  	(pc) =	sbr.rel $0x88, $3  }
0x1: {  	(tag) =	ssettag $0x0;
	lr =	simm.s32 $0x1  }
0x2: {  	[smem:$0x3F99] =	sst lr;
	_ =	strace $0xD0000000  }
0x3: {  	_ = 	snop  }
0x4: {  	_ = 	snop  }
0x5: {  	_ = 	snop  }
0x6: {  	_ = 	snop  }
0x7: {  	_ = 	snop  }
__scs_overlays_trampoline_lowered:
0x8: {  	[smem:$0x3FA8] =	sst s0  }
0x9: {  	[smem:$0x3FA9] =	sst s1  }
0xa: {  	[smem:$0x3FAA] =	sst s2  }
0xb: {  	[smem:$0x3FAB] =	sst s3  }
0xc: {  	[smem:$0x3FAC] =	sst s4  }
0xd: {  	[smem:$0x3FAD] =	sst s5  }
0xe: {  	[smem:$0x3FAE] =	sst s6  }
0xf: {  	[smem:$0x3FAF] =	sst s7  }
0x10: {  	[smem:$0x3FB0] =	sst s8  }
0x11: {  	[smem:$0x3FB1] =	sst s9;
	s0 =	simm.s32 @!p0 $0x0  }
0x12: {  	s1 =	sld [smem:$0x3F97];
	s0 =	simm.s32 @p0 $0x1  }
0x13: {  	[smem:$0x3FB2] =	sst s0;
	s0 =	simm.s32 @!p1 $0x0  }
0x14: {  	s2 =	sld [smem:$0x3F96];
	s0 =	simm.s32 @p1 $0x1  }
0x15: {  	[smem:$0x3FB3] =	sst s0;
	s0 =	simm.s32 @!p2 $0x0  }
0x16: {  	s3 =	sld [smem:$0x3FDB];
	s0 =	simm.s32 @p2 $0x1  }
0x17: {  	s4 =	simm.s32 $0x1BF5;
	[smem:$0x3FB5] =	sst s0  }
0x18: {  	s0 =	sld [smem:$0x3F98];
	_ =	swait.ge [sflag:s4], $0x0  }
0x19: {  	s7 =	sld [smem:$0x3F99]  }
0x1a: {  	s8 =	sadd.s32 $0xFFFFE003, lr  }
0x1b: {  	s9 =	sadd.s32 $0xFFFFFEF7, lr;
	s5 =	simm.s32 $0xFFFFFFFF;
	p2 =	slt.u32 s8, $0xFFFFF086  }
0x1c: {  	p1 =	slt.u32 s9, $0xF7A;
	s5 =	simm.s32 @!p2 $0x0  }
0x1d: {  	s5 =	simm.s32 @p1 $0x1;
	p0 =	seq.s32 s7, s2  }
0x1e: {  	s7 =	smul.u32 @!p0 $0xF7A, s2;
	p2 =	seq.s32 @!p0 s5, $0x0  }
0x1f: {  	s9 =	smul.u32 $0xF7A, s1;
	s8 =	simm.s32 @!p0 $0x1BF5;
	p2 =	por !p2, p0  }
0x20: {  	[sflag:s8] =	ssyncset.s32 @!p0 $0xFFFFF086;
	s6 =	sadd.s32 @!p0 s3, s7;
	s7 =	simm.s32 @!p0 $0x108  }
0x21: {  	s3 =	sadd.s32 s3, s9;
	s6 =	sadd.s32 @!p0 $0x88, s6;
	s7 =	simm.s32 @p2 $0x1082  }
0x22: {  	[simem:s7], [sflag:s8] =	dma.local @!p0 [hbm:s6], $0xF7A  }
0x23: {  	s9 =	sor.u32 $0xD0000000, s2;
	s6 =	simm.s32 $0x108;
	_ =	swait.ge @!p0 [sflag:s8], $0x0  }
0x24: {  	s3 =	sadd.s32 $0x88, s3;
	s6 =	simm.s32 @!p1 $0x1082;
	[sflag:s4] =	ssyncset.s32 $0xFFFFF086  }
0x25: {  	[simem:s6], [sflag:s4] =	dma.local [hbm:s3], $0xF7A  }
0x26: {  	[smem:$0x3F99] =	sst s1;
	(tag) =	ssettag s2;
	_ =	strace s9  }
0x27: {  	s1 =	sld [smem:$0x3FA9]  }
0x28: {  	s2 =	sld [smem:$0x3FAA]  }
0x29: {  	s4 =	sld [smem:$0x3FAC]  }
0x2a: {  	p0 =	seq.s32 s5, $0x0;
	s5 =	sld [smem:$0x3FAD]  }
0x2b: {  	s6 =	sld [smem:$0x3FAE]  }
0x2c: {  	s7 =	sld [smem:$0x3FAF]  }
0x2d: {  	s3 =	simm.s32 $0x108;
	s8 =	sld [smem:$0x3FB0]  }
0x2e: {  	s3 =	simm.s32 @!p0 $0x1082;
	s9 =	sld [smem:$0x3FB1]  }
0x2f: {  	lr =	sadd.s32 s0, s3;
	s0 =	sld [smem:$0x3FA8]  }
0x30: {  	s3 =	sld [smem:$0x3FAB]  }
0x31: {  	[smem:$0x3FB4] =	sst s10  }
0x32: {  	s10 =	sld [smem:$0x3FB2];
	_ =	sdelay $0x3  }
0x33: {  	p0 =	seq.s32 s10, $0x1;
	s10 =	sld [smem:$0x3FB4];
	_ =	sdelay $0x3  }
0x34: {  	[smem:$0x3FB4] =	sst s10  }
0x35: {  	s10 =	sld [smem:$0x3FB3];
	_ =	sdelay $0x3  }
0x36: {  	p1 =	seq.s32 s10, $0x1;
	s10 =	sld [smem:$0x3FB4];
	_ =	sdelay $0x3  }
0x37: {  	[smem:$0x3FB4] =	sst s10  }
0x38: {  	s10 =	sld [smem:$0x3FB5]  }
0x39: {  	_ = 	snop;
	(pc) =	sbr.ind lr, $3  }
0x3a: {  	_ = 	snop  }
0x3b: {  	_ = 	snop  }
0x3c: {  	p2 =	seq.s32 s10, $0x1;
	s10 =	sld [smem:$0x3FB4]  }
0x3d: {  	_ =	shalt  }
0x3e: {  	_ =	shalt  }
0x3f: {  	_ =	shalt  }
0x40: {  	_ =	shalt  }
0x41: {  	_ =	shalt  }
0x42: {  	_ =	shalt  }
0x43: {  	_ =	shalt  }
0x44: {  	_ =	shalt  }
0x45: {  	_ =	shalt  }
0x46: {  	_ =	shalt  }
0x47: {  	_ =	shalt  }
0x48: {  	_ =	shalt  }
0x49: {  	_ =	shalt  }
0x4a: {  	_ =	shalt  }
0x4b: {  	_ =	shalt  }
0x4c: {  	_ =	shalt  }
0x4d: {  	_ =	shalt  }
0x4e: {  	_ =	shalt  }
0x4f: {  	_ =	shalt  }
0x50: {  	_ =	shalt  }
0x51: {  	_ =	shalt  }
0x52: {  	_ =	shalt  }
0x53: {  	_ =	shalt  }
0x54: {  	_ =	shalt  }
0x55: {  	_ =	shalt  }
0x56: {  	_ =	shalt  }
0x57: {  	_ =	shalt  }
0x58: {  	_ =	shalt  }
0x59: {  	_ =	shalt  }
0x5a: {  	_ =	shalt  }
0x5b: {  	_ =	shalt  }
0x5c: {  	_ =	shalt  }
0x5d: {  	_ =	shalt  }
0x5e: {  	_ =	shalt  }
0x5f: {  	_ =	shalt  }
0x60: {  	_ =	shalt  }
0x61: {  	_ =	shalt  }
0x62: {  	_ =	shalt  }
0x63: {  	_ =	shalt  }
0x64: {  	_ =	shalt  }
0x65: {  	_ =	shalt  }
0x66: {  	_ =	shalt  }
0x67: {  	_ =	shalt  }
0x68: {  	_ =	shalt  }
0x69: {  	_ =	shalt  }
0x6a: {  	_ =	shalt  }
0x6b: {  	_ =	shalt  }
0x6c: {  	_ =	shalt  }
0x6d: {  	_ =	shalt  }
0x6e: {  	_ =	shalt  }
0x6f: {  	_ =	shalt  }
0x70: {  	_ =	shalt  }
0x71: {  	_ =	shalt  }
0x72: {  	_ =	shalt  }
0x73: {  	_ =	shalt  }
0x74: {  	_ =	shalt  }
0x75: {  	_ =	shalt  }
0x76: {  	_ =	shalt  }
0x77: {  	_ =	shalt  }
0x78: {  	_ =	shalt  }
0x79: {  	_ =	shalt  }
0x7a: {  	_ =	shalt  }
0x7b: {  	_ =	shalt  }
0x7c: {  	_ =	shalt  }
0x7d: {  	_ =	shalt  }
0x7e: {  	_ =	shalt  }
0x7f: {  	_ =	shalt  }
0x80: {  	_ =	shalt  }
0x81: {  	_ =	shalt  }
0x82: {  	_ =	shalt  }
0x83: {  	_ =	shalt  }
0x84: {  	_ =	shalt  }
0x85: {  	_ =	shalt  }
0x86: {  	_ =	shalt  }
0x87: {  	_ =	shalt  }
.Lfunc_end0:
.L_simem_size_0:
called_computation_lowered:
.L_overlay_start_0:
0x88: {  	s2 =	sld [smem:$0x3FD9]  }
0x89: {  	s3 =	sld [smem:$0x3FFE];
	_ =	sdelay $0x1  }
0x8a: {  	s1 =	srdreg.scid  }
0x8b: {  	s0 =	sand.u32 $0x1, s1  }
0x8c: {  	s16 =	sshll.u32 s0, $0xA;
	s2 =	sadd.s32 s3, s2  }
0x8d: {  	s2 =	sadd.s32 s2, s16  }
0x8e: {  	[smem:$0x3FC0] =	sst s2  }
0x8f: {  	_ = 	snop  }
0x90: {  	(tm) =	ssettm $0x1  }
0x91: {  	s17 =	sld [smem:$0x3FFB];
	_ =	sdelay $0x3  }
0x92: {  	_ =	strace s17  }
0x93: {  	s2 =	sld [smem:$0x3FFC];
	_ =	sdelay $0x3  }
0x94: {  	_ =	strace s2  }
0x95: {  	s2 =	sld [smem:$0x3FFD];
	_ =	sdelay $0x3  }
0x96: {  	_ =	strace s2  }
0x97: {  	_ =	strace $0x8FFFFFFF  }
0x98: {  	s18 =	sld [smem:$0x3FDB];
	_ =	sdelay $0x1  }
0x99: {  	s19 =	simm.s32 $_scs_section_size  }
0x9a: {  	s4 =	simm.s32 $_size__tile_overlayer_lowered;
	s5 =	simm.s32 $_tile_overlayer_lowered  }
0x9b: {  	s22 =	simm.s32 $0x1BFF;
	s21 =	sshll.u32 s5, $0x1;
	s2 =	sadd.s32 s19, s18  }
0x9c: {  	s6 =	simm.s32 $0x0;
	s20 =	sshll.u32 s4, $0x1;
	s4 =	sadd.s32 s21, s2  }
0x9d: {  	[timem:s6], [sflag:s22] =	dma.local [hbm:s4], s20  }
0x9e: {  	_ =	swait.ge [sflag:s22], s20  }
0x9f: {  	s3 =	ssub.s32 $0x0, s20;
	[sflag:s22] =	ssyncset.done $0x0  }
0xa0: {  	[sflag:s22] =	ssyncadd.s32 s3;
	_ =	sdelay $0x1  }
0xa1: {  	s23 =	simm.s32 $0x1B8B  }
0xa2: {  	_ =	swait.ge [sflag:s23], $0x1  }
0xa3: {  	[sflag:s23] =	ssyncset.done $0x0  }
0xa4: {  	s25 =	simm.s32 $0x1B8E;
	s24 =	sld [smem:$0x3FFE];
	[sflag:s23] =	ssyncadd.s32 $0xFFFFFFFF  }
0xa5: {  	s26 =	simm.s32 $execute0_lowered;
	[smem:$0x3FD2] =	sst s25  }
0xa6: {  	s4 =	sshll.u32 s26, $0x1;
	_ =	strace $0x80000046;
	[dreg:$0x1] =	wrdreg $0xFFFFFFFF  }
0xa7: {  	s28 =	simm.s32 $_size_execute0_lowered;
	s2 =	sadd.s32 s2, s4;
	[dreg:$0x0] =	wrdreg $0x0  }
0xa8: {  	s4 =	sshll.u32 s28, $0x1;
	[dreg:$0x2] =	wrdreg s2  }
0xa9: {  	[dreg:$0x3] =	wrdreg s4  }
0xaa: {  	[dreg:$0x4] =	wrdreg $0xC0  }
0xab: {  	_ =	task [dreg:s6], $0x5FFFF  }
0xac: {  	[dreg:$0x1] =	wrdreg $0xFFFFFFFF  }
0xad: {  	[dreg:$0x0] =	wrdreg $0x60  }
0xae: {  	[dreg:$0x2] =	wrdreg s24  }
0xaf: {  	[dreg:$0x3] =	wrdreg $0x2B000  }
0xb0: {  	[dreg:$0x4] =	wrdreg $0x9  }
0xb1: {  	_ =	task.clear_ibuf [dreg:s6], $0x5FFFF;
	_ =	strace $0x90000046  }
0xb2: {  	s29 =	simm.s32 $0x9;
	_ =	strace $0x80000048  }
0xb3: {  	_ =	swait.ge [sflag:s29], $0x1  }
0xb4: {  	[sflag:s29] =	ssyncadd.s32 $0xFFFFFFFF  }
0xb5: {  	_ =	strace $0x90000048  }
0xb6: {  	_ =	sfence  }
0xb7: {  	s30 =	sld [smem:$0x0];
	_ =	sdelay $0x2  }
0xb8: {  	s31 =	sshll.u32 s1, $0xD;
	s1 =	sshrl.u32 s1, $0x2  }
0xb9: {  	s3 =	sand.u32 $0x4000, s31;
	s1 =	sadd.s32 s1, s30  }
0xba: {  	s0 =	sor.u32 s3, s0;
	s1 =	sshll.u32 s1, $0x11  }
0xbb: {  	s0 =	sor.u32 s1, s0  }
0xbc: {  	s0 =	sadd.s32 $0x8F2B, s0  }
0xbd: {  	[sflag:s0] =	ssyncadd.remote.s32 $0x1  }
0xbe: {  	_ =	sfence.sel $0xFFFF  }
0xbf: {  	[dreg:$0x0] =	wrdreg $0xFFFFFFFF;
	(pc) =	sbr.abs _section_cstart, $3  }
0xc0: {  	[dreg:$0x1] =	wrdreg $0xFFFFFFFF  }
0xc1: {  	_ =	task.clear_ibuf [dreg:s6], $0x2FFFF;
	_ =	strace $0x9FFFFFFF  }
0xc2: {  	(tm) =	ssettm $0x7FFFFFFF  }
0xc3: {  	_ =	shalt  }
tec
execute0_lowered:
.L_overlay_start_1:
0x0: {  	(tag) =	ssettag $0x1  }
0x1: {  	s4 =	rddreg [dreg:$0x0];
	s0 =	srdreg.scid  }
0x2: {  	s2 =	rddreg [dreg:$0x1];
	s1 =	stileid.u32  }
0x3: {  	s3 =	simm.s32 $0x0;
	s10 =	simm.s32 $0x80;
	s11 =	simm.s32 $0x2800  }
0x4: {  	s12 =	simm.s32 $0x1;
	s5 =	sand.u32 $0x1, s0;
	s0 =	rddreg [dreg:$0x2]  }
0x5: {  	s15 =	simm.s32 $0x0;
	s7 =	smul.u32 $0x280, s1;
	[smem:$0x7FF] =	sst s3  }
0x6: {  	s13 =	sshll.u32 s1, $0x6;
	s6 =	sshll.u32 s5, $0x4;
	s8 =	smul.u32 $0x2800, s5  }
0x7: {  	_ =	strace $0x80000047;
	s5 =	ssub.s32 $0x2, s5;
	s6 =	sor.u32 s1, s6  }
0x8: {  	s13 =	sor.u32 $0x1C02, s13;
	s9 =	sshrl.u32 s5, $0x1;
	s6 =	smul.u32 $0x500, s6  }
0x9: {  	s8 =	sadd.s32 s7, s8;
	s9 =	ssub.s32 s5, s9;
	s5 =	sadd.s32 s7, s2  }
0xa: {  	s8 =	sshrl.u32 s8, $0x3;
	s7 =	smax.u32 s9, $0x1;
	s9 =	simm.s32 $0x2880  }
0xb: {  	s14 =	sshrl.u32 s5, $0x3;
	s6 =	sadd.s32 s6, s4;
	s8 =	sadd.s32 s8, s4  }
0xc: {  	v0 =	vimm.f32 $1.000000000e+00;
	v1 =	vimm.f32 $0.0e+00;
	s4 =	sadd.s32 $0x3000, s6;
	s6 =	sadd.s32 $0xD000, s8;
	s8 =	simm.s32 $0x2  }
.LBB2_1:
0xd: {  	[tilespmem:s3], [sflag:$0x2] =	stream.linear.gather [hbm4b:s4+s3], $0x2800, $0x38;
	[tilespmem:$0x2D80] =	vst v63  }
0xe: {  	_ =	swait.ge [sflag:s8], $0x2800  }
0xf: {  	[sflag:s8] =	ssyncset.done $0x0  }
0x10: {  	[sflag:s8] =	ssyncadd.s32 $0xFFFFD800  }
0x11: {  	[tilespmem:$0x2800] =	vst v0  }
0x12: {  	[tilespmem:$0x2810] =	vst v0  }
0x13: {  	[tilespmem:$0x2820] =	vst v0  }
0x14: {  	[tilespmem:$0x2830] =	vst v0  }
0x15: {  	[tilespmem:$0x2840] =	vst v0  }
0x16: {  	[tilespmem:$0x2850] =	vst v0  }
0x17: {  	[tilespmem:$0x2860] =	vst v0  }
0x18: {  	[tilespmem:$0x2870] =	vst v0  }
0x19: {  	[tilespmem:$0x2880] =	vst v1  }
0x1a: {  	[tilespmem:$0x2890] =	vst v1  }
0x1b: {  	[tilespmem:$0x28A0] =	vst v1  }
0x1c: {  	[tilespmem:$0x28B0] =	vst v1  }
0x1d: {  	[tilespmem:$0x28C0] =	vst v1  }
0x1e: {  	[tilespmem:$0x28D0] =	vst v1  }
0x1f: {  	[tilespmem:$0x28E0] =	vst v1  }
0x20: {  	[tilespmem:$0x28F0] =	vst v1  }
0x21: {  	[tilespmem:$0x2900] =	vst v1  }
0x22: {  	[tilespmem:$0x2910] =	vst v1  }
0x23: {  	[tilespmem:$0x2920] =	vst v1  }
0x24: {  	[tilespmem:$0x2930] =	vst v1  }
0x25: {  	[tilespmem:$0x2940] =	vst v1  }
0x26: {  	[tilespmem:$0x2950] =	vst v1  }
0x27: {  	[tilespmem:$0x2960] =	vst v1  }
0x28: {  	[tilespmem:$0x2970] =	vst v1  }
0x29: {  	[tilespmem:$0x2980] =	vst v1  }
0x2a: {  	[tilespmem:$0x2990] =	vst v1  }
0x2b: {  	[tilespmem:$0x29A0] =	vst v1  }
0x2c: {  	[tilespmem:$0x29B0] =	vst v1  }
0x2d: {  	[tilespmem:$0x29C0] =	vst v1  }
0x2e: {  	[tilespmem:$0x29D0] =	vst v1  }
0x2f: {  	[tilespmem:$0x29E0] =	vst v1  }
0x30: {  	[tilespmem:$0x29F0] =	vst v1  }
0x31: {  	[tilespmem:$0x2A00] =	vst v1  }
0x32: {  	[tilespmem:$0x2A10] =	vst v1  }
0x33: {  	[tilespmem:$0x2A20] =	vst v1  }
0x34: {  	[tilespmem:$0x2A30] =	vst v1  }
0x35: {  	[tilespmem:$0x2A40] =	vst v1  }
0x36: {  	[tilespmem:$0x2A50] =	vst v1  }
0x37: {  	[tilespmem:$0x2A60] =	vst v1  }
0x38: {  	[tilespmem:$0x2A70] =	vst v1  }
0x39: {  	[tilespmem:$0x2A80] =	vst v1  }
0x3a: {  	[tilespmem:$0x2A90] =	vst v1  }
0x3b: {  	[tilespmem:$0x2AA0] =	vst v1  }
0x3c: {  	[tilespmem:$0x2AB0] =	vst v1  }
0x3d: {  	[tilespmem:$0x2AC0] =	vst v1  }
0x3e: {  	[tilespmem:$0x2AD0] =	vst v1  }
0x3f: {  	[tilespmem:$0x2AE0] =	vst v1  }
0x40: {  	[tilespmem:$0x2AF0] =	vst v1  }
0x41: {  	[spmem:s5] =	stream.linear.scatter [tilespmem:s9], [sflag:$0x2], $0x280, $0x38;
	[tilespmem:$0x2D80] =	vst v63  }
0x42: {  	_ =	swait.ge [sflag:s8], $0x280  }
0x43: {  	[sflag:s8] =	ssyncset.done $0x0  }
0x44: {  	[sflag:s8] =	ssyncadd.s32 $0xFFFFFD80  }
0x45: {  	s16 =	simm.s32 $0x0;
	[bflag:$0x0] =	sbarrier.arrive $0xFFFF  }
0x46: {  	[spmem:s2] =	stream.indirect.scatter.add.f32 [tilespmem:s11], [sflag:$0x1], $0x1, s16, s10, $0xb8;
	[tilespmem:$0x2D80] =	vst v63  }
0x47: {  	s31 =	simm.s32 $0x80  }
0x48: {  	[spmem:s2] =	stream.indirect.scatter.add.f32 [tilespmem:s11], [sflag:$0x1], $0x1, s31, s10, $0xb8;
	[tilespmem:$0x2D80] =	vst v63  }
0x49: {  	s17 =	simm.s32 $0x100  }
0x4a: {  	[spmem:s2] =	stream.indirect.scatter.add.f32 [tilespmem:s11], [sflag:$0x1], $0x1, s17, s10, $0xb8;
	[tilespmem:$0x2D80] =	vst v63  }
0x4b: {  	s18 =	simm.s32 $0x180  }
0x4c: {  	[spmem:s2] =	stream.indirect.scatter.add.f32 [tilespmem:s11], [sflag:$0x1], $0x1, s18, s10, $0xb8;
	[tilespmem:$0x2D80] =	vst v63  }
0x4d: {  	s19 =	simm.s32 $0x200  }
0x4e: {  	[spmem:s2] =	stream.indirect.scatter.add.f32 [tilespmem:s11], [sflag:$0x1], $0x1, s19, s10, $0xb8;
	[tilespmem:$0x2D80] =	vst v63  }
0x4f: {  	s20 =	simm.s32 $0x280  }
0x50: {  	[spmem:s2] =	stream.indirect.scatter.add.f32 [tilespmem:s11], [sflag:$0x1], $0x1, s20, s10, $0xb8;
	[tilespmem:$0x2D80] =	vst v63  }
0x51: {  	s21 =	simm.s32 $0x300  }
0x52: {  	[spmem:s2] =	stream.indirect.scatter.add.f32 [tilespmem:s11], [sflag:$0x1], $0x1, s21, s10, $0xb8;
	[tilespmem:$0x2D80] =	vst v63  }
0x53: {  	s22 =	simm.s32 $0x380  }
0x54: {  	[spmem:s2] =	stream.indirect.scatter.add.f32 [tilespmem:s11], [sflag:$0x1], $0x1, s22, s10, $0xb8;
	[tilespmem:$0x2D80] =	vst v63  }
0x55: {  	s23 =	simm.s32 $0x400  }
0x56: {  	[spmem:s2] =	stream.indirect.scatter.add.f32 [tilespmem:s11], [sflag:$0x1], $0x1, s23, s10, $0xb8;
	[tilespmem:$0x2D80] =	vst v63  }
0x57: {  	s24 =	simm.s32 $0x480  }
0x58: {  	[spmem:s2] =	stream.indirect.scatter.add.f32 [tilespmem:s11], [sflag:$0x1], $0x1, s24, s10, $0xb8;
	[tilespmem:$0x2D80] =	vst v63  }
0x59: {  	s25 =	simm.s32 $0x500  }
0x5a: {  	[spmem:s2] =	stream.indirect.scatter.add.f32 [tilespmem:s11], [sflag:$0x1], $0x1, s25, s10, $0xb8;
	[tilespmem:$0x2D80] =	vst v63  }
0x5b: {  	s26 =	simm.s32 $0x580  }
0x5c: {  	[spmem:s2] =	stream.indirect.scatter.add.f32 [tilespmem:s11], [sflag:$0x1], $0x1, s26, s10, $0xb8;
	[tilespmem:$0x2D80] =	vst v63  }
0x5d: {  	s28 =	simm.s32 $0x600  }
0x5e: {  	[spmem:s2] =	stream.indirect.scatter.add.f32 [tilespmem:s11], [sflag:$0x1], $0x1, s28, s10, $0xb8;
	[tilespmem:$0x2D80] =	vst v63  }
0x5f: {  	s29 =	simm.s32 $0x680  }
0x60: {  	[spmem:s2] =	stream.indirect.scatter.add.f32 [tilespmem:s11], [sflag:$0x1], $0x1, s29, s10, $0xb8;
	[tilespmem:$0x2D80] =	vst v63  }
0x61: {  	s30 =	simm.s32 $0x700  }
0x62: {  	[spmem:s2] =	stream.indirect.scatter.add.f32 [tilespmem:s11], [sflag:$0x1], $0x1, s30, s10, $0xb8;
	[tilespmem:$0x2D80] =	vst v63  }
0x63: {  	s31 =	simm.s32 $0x780  }
0x64: {  	[spmem:s2] =	stream.indirect.scatter.add.f32 [tilespmem:s11], [sflag:$0x1], $0x1, s31, s10, $0xb8;
	[tilespmem:$0x2D80] =	vst v63  }
0x65: {  	_ =	swait.ge [sflag:s12], $0x80  }
0x66: {  	[sflag:s12] =	ssyncset.done $0x0  }
0x67: {  	[sflag:s12] =	ssyncadd.s32 $0xFFFFFF80  }
0x68: {  	_ =	swait.ge [sflag:s12], $0x80  }
0x69: {  	[sflag:s12] =	ssyncset.done $0x0  }
0x6a: {  	[sflag:s12] =	ssyncadd.s32 $0xFFFFFF80  }
0x6b: {  	_ =	swait.ge [sflag:s12], $0x80  }
0x6c: {  	[sflag:s12] =	ssyncset.done $0x0  }
0x6d: {  	[sflag:s12] =	ssyncadd.s32 $0xFFFFFF80  }
0x6e: {  	_ =	swait.ge [sflag:s12], $0x80  }
0x6f: {  	[sflag:s12] =	ssyncset.done $0x0  }
0x70: {  	[sflag:s12] =	ssyncadd.s32 $0xFFFFFF80  }
0x71: {  	_ =	swait.ge [sflag:s12], $0x80  }
0x72: {  	[sflag:s12] =	ssyncset.done $0x0  }
0x73: {  	[sflag:s12] =	ssyncadd.s32 $0xFFFFFF80  }
0x74: {  	_ =	swait.ge [sflag:s12], $0x80  }
0x75: {  	[sflag:s12] =	ssyncset.done $0x0  }
0x76: {  	[sflag:s12] =	ssyncadd.s32 $0xFFFFFF80  }
0x77: {  	_ =	swait.ge [sflag:s12], $0x80  }
0x78: {  	[sflag:s12] =	ssyncset.done $0x0  }
0x79: {  	[sflag:s12] =	ssyncadd.s32 $0xFFFFFF80  }
0x7a: {  	_ =	swait.ge [sflag:s12], $0x80  }
0x7b: {  	[sflag:s12] =	ssyncset.done $0x0  }
0x7c: {  	[sflag:s12] =	ssyncadd.s32 $0xFFFFFF80  }
0x7d: {  	_ =	swait.ge [sflag:s12], $0x80  }
0x7e: {  	[sflag:s12] =	ssyncset.done $0x0  }
0x7f: {  	[sflag:s12] =	ssyncadd.s32 $0xFFFFFF80  }
0x80: {  	_ =	swait.ge [sflag:s12], $0x80  }
0x81: {  	[sflag:s12] =	ssyncset.done $0x0  }
0x82: {  	[sflag:s12] =	ssyncadd.s32 $0xFFFFFF80  }
0x83: {  	_ =	swait.ge [sflag:s12], $0x80  }
0x84: {  	[sflag:s12] =	ssyncset.done $0x0  }
0x85: {  	[sflag:s12] =	ssyncadd.s32 $0xFFFFFF80  }
0x86: {  	_ =	swait.ge [sflag:s12], $0x80  }
0x87: {  	[sflag:s12] =	ssyncset.done $0x0  }
0x88: {  	[sflag:s12] =	ssyncadd.s32 $0xFFFFFF80  }
0x89: {  	_ =	swait.ge [sflag:s12], $0x80  }
0x8a: {  	[sflag:s12] =	ssyncset.done $0x0  }
0x8b: {  	[sflag:s12] =	ssyncadd.s32 $0xFFFFFF80  }
0x8c: {  	_ =	swait.ge [sflag:s12], $0x80  }
0x8d: {  	[sflag:s12] =	ssyncset.done $0x0  }
0x8e: {  	[sflag:s12] =	ssyncadd.s32 $0xFFFFFF80  }
0x8f: {  	_ =	swait.ge [sflag:s12], $0x80  }
0x90: {  	[sflag:s12] =	ssyncset.done $0x0  }
0x91: {  	[sflag:s12] =	ssyncadd.s32 $0xFFFFFF80  }
0x92: {  	_ =	swait.ge [sflag:s12], $0x80  }
0x93: {  	s16 =	simm.s32 $0x2000;
	s19 =	simm.s32 $0x4000;
	[sflag:s12] =	ssyncset.done $0x0  }
.LBB2_2:
0x94: {  	s18 =	sshra.s32 s16, $0x2  }
0x95: {  	[sflag:s12] =	ssyncadd.s32 $0xFFFFFF80;
	s16 =	smov.u32 s19;
	s17 =	sadd.s32 $0x2000, s19  }
0x96: {  	[spmem:s2] =	stream.indirect.scatter.add.f32 [tilespmem:s11], [sflag:$0x1], $0x1, s18, s10, $0xb8;
	[tilespmem:$0x2D80] =	vst v63  }
0x97: {  	p0 =	sne.s32 s19, $0x8000;
	s19 =	sadd.s32 $0x80, s18  }
0x98: {  	[spmem:s2] =	stream.indirect.scatter.add.f32 [tilespmem:s11], [sflag:$0x1], $0x1, s19, s10, $0xb8;
	[tilespmem:$0x2D80] =	vst v63  }
0x99: {  	s19 =	sadd.s32 $0x100, s18  }
0x9a: {  	[spmem:s2] =	stream.indirect.scatter.add.f32 [tilespmem:s11], [sflag:$0x1], $0x1, s19, s10, $0xb8;
	[tilespmem:$0x2D80] =	vst v63  }
0x9b: {  	s19 =	sadd.s32 $0x180, s18  }
0x9c: {  	[spmem:s2] =	stream.indirect.scatter.add.f32 [tilespmem:s11], [sflag:$0x1], $0x1, s19, s10, $0xb8;
	[tilespmem:$0x2D80] =	vst v63  }
0x9d: {  	s19 =	sadd.s32 $0x200, s18  }
0x9e: {  	[spmem:s2] =	stream.indirect.scatter.add.f32 [tilespmem:s11], [sflag:$0x1], $0x1, s19, s10, $0xb8;
	[tilespmem:$0x2D80] =	vst v63  }
0x9f: {  	s19 =	sadd.s32 $0x280, s18  }
0xa0: {  	[spmem:s2] =	stream.indirect.scatter.add.f32 [tilespmem:s11], [sflag:$0x1], $0x1, s19, s10, $0xb8;
	[tilespmem:$0x2D80] =	vst v63  }
0xa1: {  	s19 =	sadd.s32 $0x300, s18  }
0xa2: {  	[spmem:s2] =	stream.indirect.scatter.add.f32 [tilespmem:s11], [sflag:$0x1], $0x1, s19, s10, $0xb8;
	[tilespmem:$0x2D80] =	vst v63  }
0xa3: {  	s19 =	sadd.s32 $0x380, s18  }
0xa4: {  	[spmem:s2] =	stream.indirect.scatter.add.f32 [tilespmem:s11], [sflag:$0x1], $0x1, s19, s10, $0xb8;
	[tilespmem:$0x2D80] =	vst v63  }
0xa5: {  	s19 =	sadd.s32 $0x400, s18  }
0xa6: {  	[spmem:s2] =	stream.indirect.scatter.add.f32 [tilespmem:s11], [sflag:$0x1], $0x1, s19, s10, $0xb8;
	[tilespmem:$0x2D80] =	vst v63  }
0xa7: {  	s19 =	sadd.s32 $0x480, s18  }
0xa8: {  	[spmem:s2] =	stream.indirect.scatter.add.f32 [tilespmem:s11], [sflag:$0x1], $0x1, s19, s10, $0xb8;
	[tilespmem:$0x2D80] =	vst v63  }
0xa9: {  	s19 =	sadd.s32 $0x500, s18  }
0xaa: {  	[spmem:s2] =	stream.indirect.scatter.add.f32 [tilespmem:s11], [sflag:$0x1], $0x1, s19, s10, $0xb8;
	[tilespmem:$0x2D80] =	vst v63  }
0xab: {  	s19 =	sadd.s32 $0x580, s18  }
0xac: {  	[spmem:s2] =	stream.indirect.scatter.add.f32 [tilespmem:s11], [sflag:$0x1], $0x1, s19, s10, $0xb8;
	[tilespmem:$0x2D80] =	vst v63  }
0xad: {  	s19 =	sadd.s32 $0x600, s18  }
0xae: {  	[spmem:s2] =	stream.indirect.scatter.add.f32 [tilespmem:s11], [sflag:$0x1], $0x1, s19, s10, $0xb8;
	[tilespmem:$0x2D80] =	vst v63  }
0xaf: {  	s19 =	sadd.s32 $0x680, s18  }
0xb0: {  	[spmem:s2] =	stream.indirect.scatter.add.f32 [tilespmem:s11], [sflag:$0x1], $0x1, s19, s10, $0xb8;
	[tilespmem:$0x2D80] =	vst v63  }
0xb1: {  	s19 =	sadd.s32 $0x700, s18  }
0xb2: {  	[spmem:s2] =	stream.indirect.scatter.add.f32 [tilespmem:s11], [sflag:$0x1], $0x1, s19, s10, $0xb8;
	[tilespmem:$0x2D80] =	vst v63  }
0xb3: {  	s18 =	sadd.s32 $0x780, s18  }
0xb4: {  	[spmem:s2] =	stream.indirect.scatter.add.f32 [tilespmem:s11], [sflag:$0x1], $0x1, s18, s10, $0xb8;
	[tilespmem:$0x2D80] =	vst v63  }
0xb5: {  	_ =	swait.ge [sflag:s12], $0x80  }
0xb6: {  	[sflag:s12] =	ssyncset.done $0x0  }
0xb7: {  	[sflag:s12] =	ssyncadd.s32 $0xFFFFFF80  }
0xb8: {  	_ =	swait.ge [sflag:s12], $0x80  }
0xb9: {  	[sflag:s12] =	ssyncset.done $0x0  }
0xba: {  	[sflag:s12] =	ssyncadd.s32 $0xFFFFFF80  }
0xbb: {  	_ =	swait.ge [sflag:s12], $0x80  }
0xbc: {  	[sflag:s12] =	ssyncset.done $0x0  }
0xbd: {  	[sflag:s12] =	ssyncadd.s32 $0xFFFFFF80  }
0xbe: {  	_ =	swait.ge [sflag:s12], $0x80  }
0xbf: {  	[sflag:s12] =	ssyncset.done $0x0  }
0xc0: {  	[sflag:s12] =	ssyncadd.s32 $0xFFFFFF80  }
0xc1: {  	_ =	swait.ge [sflag:s12], $0x80  }
0xc2: {  	[sflag:s12] =	ssyncset.done $0x0  }
0xc3: {  	[sflag:s12] =	ssyncadd.s32 $0xFFFFFF80  }
0xc4: {  	_ =	swait.ge [sflag:s12], $0x80  }
0xc5: {  	[sflag:s12] =	ssyncset.done $0x0  }
0xc6: {  	[sflag:s12] =	ssyncadd.s32 $0xFFFFFF80  }
0xc7: {  	_ =	swait.ge [sflag:s12], $0x80  }
0xc8: {  	[sflag:s12] =	ssyncset.done $0x0  }
0xc9: {  	[sflag:s12] =	ssyncadd.s32 $0xFFFFFF80  }
0xca: {  	_ =	swait.ge [sflag:s12], $0x80  }
0xcb: {  	[sflag:s12] =	ssyncset.done $0x0  }
0xcc: {  	[sflag:s12] =	ssyncadd.s32 $0xFFFFFF80  }
0xcd: {  	_ =	swait.ge [sflag:s12], $0x80  }
0xce: {  	[sflag:s12] =	ssyncset.done $0x0  }
0xcf: {  	[sflag:s12] =	ssyncadd.s32 $0xFFFFFF80  }
0xd0: {  	_ =	swait.ge [sflag:s12], $0x80  }
0xd1: {  	[sflag:s12] =	ssyncset.done $0x0  }
0xd2: {  	[sflag:s12] =	ssyncadd.s32 $0xFFFFFF80  }
0xd3: {  	_ =	swait.ge [sflag:s12], $0x80  }
0xd4: {  	[sflag:s12] =	ssyncset.done $0x0  }
0xd5: {  	[sflag:s12] =	ssyncadd.s32 $0xFFFFFF80  }
0xd6: {  	_ =	swait.ge [sflag:s12], $0x80  }
0xd7: {  	[sflag:s12] =	ssyncset.done $0x0  }
0xd8: {  	[sflag:s12] =	ssyncadd.s32 $0xFFFFFF80  }
0xd9: {  	_ =	swait.ge [sflag:s12], $0x80  }
0xda: {  	[sflag:s12] =	ssyncset.done $0x0  }
0xdb: {  	[sflag:s12] =	ssyncadd.s32 $0xFFFFFF80  }
0xdc: {  	_ =	swait.ge [sflag:s12], $0x80  }
0xdd: {  	[sflag:s12] =	ssyncset.done $0x0  }
0xde: {  	[sflag:s12] =	ssyncadd.s32 $0xFFFFFF80  }
.Ltmp0:
0xdf: {  	_ =	swait.ge [sflag:s12], $0x80;
	(pc) =	sbr.rel @p0 .LBB2_2-.Ltmp0, $4  }
0xe0: {  	[sflag:s12] =	ssyncset.done $0x0  }
0xe1: {  	[sflag:s12] =	ssyncadd.s32 $0xFFFFFF80  }
0xe2: {  	_ =	swait.ge [sflag:s12], $0x80  }
0xe3: {  	s19 =	smov.u32 s17;
	[sflag:s12] =	ssyncset.done $0x0  }
0xe4: {  	s16 =	sshra.s32 s16, $0x2;
	[sflag:s12] =	ssyncadd.s32 $0xFFFFFF80  }
0xe5: {  	[spmem:s2] =	stream.indirect.scatter.add.f32 [tilespmem:s11], [sflag:$0x1], $0x1, s16, s10, $0xb8;
	[tilespmem:$0x2D80] =	vst v63  }
0xe6: {  	s17 =	sadd.s32 $0x80, s16  }
0xe7: {  	[spmem:s2] =	stream.indirect.scatter.add.f32 [tilespmem:s11], [sflag:$0x1], $0x1, s17, s10, $0xb8;
	[tilespmem:$0x2D80] =	vst v63  }
0xe8: {  	s18 =	sadd.s32 $0x100, s16  }
0xe9: {  	[spmem:s2] =	stream.indirect.scatter.add.f32 [tilespmem:s11], [sflag:$0x1], $0x1, s18, s10, $0xb8;
	[tilespmem:$0x2D80] =	vst v63  }
0xea: {  	s19 =	sadd.s32 $0x180, s16  }
0xeb: {  	[spmem:s2] =	stream.indirect.scatter.add.f32 [tilespmem:s11], [sflag:$0x1], $0x1, s19, s10, $0xb8;
	[tilespmem:$0x2D80] =	vst v63  }
0xec: {  	s20 =	sadd.s32 $0x200, s16  }
0xed: {  	[spmem:s2] =	stream.indirect.scatter.add.f32 [tilespmem:s11], [sflag:$0x1], $0x1, s20, s10, $0xb8;
	[tilespmem:$0x2D80] =	vst v63  }
0xee: {  	s21 =	sadd.s32 $0x280, s16  }
0xef: {  	[spmem:s2] =	stream.indirect.scatter.add.f32 [tilespmem:s11], [sflag:$0x1], $0x1, s21, s10, $0xb8;
	[tilespmem:$0x2D80] =	vst v63  }
0xf0: {  	s22 =	sadd.s32 $0x300, s16  }
0xf1: {  	[spmem:s2] =	stream.indirect.scatter.add.f32 [tilespmem:s11], [sflag:$0x1], $0x1, s22, s10, $0xb8;
	[tilespmem:$0x2D80] =	vst v63  }
0xf2: {  	s23 =	sadd.s32 $0x380, s16  }
0xf3: {  	[spmem:s2] =	stream.indirect.scatter.add.f32 [tilespmem:s11], [sflag:$0x1], $0x1, s23, s10, $0xb8;
	[tilespmem:$0x2D80] =	vst v63  }
0xf4: {  	s24 =	sadd.s32 $0x400, s16  }
0xf5: {  	[spmem:s2] =	stream.indirect.scatter.add.f32 [tilespmem:s11], [sflag:$0x1], $0x1, s24, s10, $0xb8;
	[tilespmem:$0x2D80] =	vst v63  }
0xf6: {  	s25 =	sadd.s32 $0x480, s16  }
0xf7: {  	[spmem:s2] =	stream.indirect.scatter.add.f32 [tilespmem:s11], [sflag:$0x1], $0x1, s25, s10, $0xb8;
	[tilespmem:$0x2D80] =	vst v63  }
0xf8: {  	s26 =	sadd.s32 $0x500, s16  }
0xf9: {  	[spmem:s2] =	stream.indirect.scatter.add.f32 [tilespmem:s11], [sflag:$0x1], $0x1, s26, s10, $0xb8;
	[tilespmem:$0x2D80] =	vst v63  }
0xfa: {  	s28 =	sadd.s32 $0x580, s16  }
0xfb: {  	[spmem:s2] =	stream.indirect.scatter.add.f32 [tilespmem:s11], [sflag:$0x1], $0x1, s28, s10, $0xb8;
	[tilespmem:$0x2D80] =	vst v63  }
0xfc: {  	s29 =	sadd.s32 $0x600, s16  }
0xfd: {  	[spmem:s2] =	stream.indirect.scatter.add.f32 [tilespmem:s11], [sflag:$0x1], $0x1, s29, s10, $0xb8;
	[tilespmem:$0x2D80] =	vst v63  }
0xfe: {  	s30 =	sadd.s32 $0x680, s16  }
0xff: {  	[spmem:s2] =	stream.indirect.scatter.add.f32 [tilespmem:s11], [sflag:$0x1], $0x1, s30, s10, $0xb8;
	[tilespmem:$0x2D80] =	vst v63  }
0x100: {  	s31 =	sadd.s32 $0x700, s16  }
0x101: {  	[spmem:s2] =	stream.indirect.scatter.add.f32 [tilespmem:s11], [sflag:$0x1], $0x1, s31, s10, $0xb8;
	[tilespmem:$0x2D80] =	vst v63  }
0x102: {  	s16 =	sadd.s32 $0x780, s16  }
0x103: {  	[spmem:s2] =	stream.indirect.scatter.add.f32 [tilespmem:s11], [sflag:$0x1], $0x1, s16, s10, $0xb8;
	[tilespmem:$0x2D80] =	vst v63  }
0x104: {  	_ =	swait.ge [sflag:s12], $0x80  }
0x105: {  	[sflag:s12] =	ssyncset.done $0x0  }
0x106: {  	[sflag:s12] =	ssyncadd.s32 $0xFFFFFF80  }
0x107: {  	_ =	swait.ge [sflag:s12], $0x80  }
0x108: {  	[sflag:s12] =	ssyncset.done $0x0  }
0x109: {  	[sflag:s12] =	ssyncadd.s32 $0xFFFFFF80  }
0x10a: {  	_ =	swait.ge [sflag:s12], $0x80  }
0x10b: {  	[sflag:s12] =	ssyncset.done $0x0  }
0x10c: {  	[sflag:s12] =	ssyncadd.s32 $0xFFFFFF80  }
0x10d: {  	_ =	swait.ge [sflag:s12], $0x80  }
0x10e: {  	[sflag:s12] =	ssyncset.done $0x0  }
0x10f: {  	[sflag:s12] =	ssyncadd.s32 $0xFFFFFF80  }
0x110: {  	_ =	swait.ge [sflag:s12], $0x80  }
0x111: {  	[sflag:s12] =	ssyncset.done $0x0  }
0x112: {  	[sflag:s12] =	ssyncadd.s32 $0xFFFFFF80  }
0x113: {  	_ =	swait.ge [sflag:s12], $0x80  }
0x114: {  	[sflag:s12] =	ssyncset.done $0x0  }
0x115: {  	[sflag:s12] =	ssyncadd.s32 $0xFFFFFF80  }
0x116: {  	_ =	swait.ge [sflag:s12], $0x80  }
0x117: {  	[sflag:s12] =	ssyncset.done $0x0  }
0x118: {  	[sflag:s12] =	ssyncadd.s32 $0xFFFFFF80  }
0x119: {  	_ =	swait.ge [sflag:s12], $0x80  }
0x11a: {  	[sflag:s12] =	ssyncset.done $0x0  }
0x11b: {  	[sflag:s12] =	ssyncadd.s32 $0xFFFFFF80  }
0x11c: {  	_ =	swait.ge [sflag:s12], $0x80  }
0x11d: {  	[sflag:s12] =	ssyncset.done $0x0  }
0x11e: {  	[sflag:s12] =	ssyncadd.s32 $0xFFFFFF80  }
0x11f: {  	_ =	swait.ge [sflag:s12], $0x80  }
0x120: {  	[sflag:s12] =	ssyncset.done $0x0  }
0x121: {  	[sflag:s12] =	ssyncadd.s32 $0xFFFFFF80  }
0x122: {  	_ =	swait.ge [sflag:s12], $0x80  }
0x123: {  	[sflag:s12] =	ssyncset.done $0x0  }
0x124: {  	[sflag:s12] =	ssyncadd.s32 $0xFFFFFF80  }
0x125: {  	_ =	swait.ge [sflag:s12], $0x80  }
0x126: {  	[sflag:s12] =	ssyncset.done $0x0  }
0x127: {  	[sflag:s12] =	ssyncadd.s32 $0xFFFFFF80  }
0x128: {  	_ =	swait.ge [sflag:s12], $0x80  }
0x129: {  	[sflag:s12] =	ssyncset.done $0x0  }
0x12a: {  	[sflag:s12] =	ssyncadd.s32 $0xFFFFFF80  }
0x12b: {  	_ =	swait.ge [sflag:s12], $0x80  }
0x12c: {  	[sflag:s12] =	ssyncset.done $0x0  }
0x12d: {  	[sflag:s12] =	ssyncadd.s32 $0xFFFFFF80  }
0x12e: {  	_ =	swait.ge [sflag:s12], $0x80  }
0x12f: {  	[sflag:s12] =	ssyncset.done $0x0  }
0x130: {  	[sflag:s12] =	ssyncadd.s32 $0xFFFFFF80  }
0x131: {  	_ =	swait.ge [sflag:s12], $0x80  }
0x132: {  	s15 =	sadd.s32 $0x1, s15;
	[sflag:s12] =	ssyncset.done $0x0  }
0x133: {  	p0 =	sne.s32 s15, s7;
	[sflag:s12] =	ssyncadd.s32 $0xFFFFFF80  }
.Ltmp1:
0x134: {  	[bflag:$0x0] =	sbarrier.arrive $0xFFFF;
	(pc) =	sbr.rel @p0 .LBB2_1-.Ltmp1, $4  }
0x135: {  	[hbm:s6], [sflag:s13] =	dma.local [spmem:s14], $0x50  }
0x136: {  	_ =	swait.ge [sflag:s8], $0x50  }
0x137: {  	[sflag:s8] =	ssyncset.done $0x0  }
0x138: {  	[sflag:s8] =	ssyncadd.s32 $0xFFFFFFB0  }
0x139: {  	_ =	sfence.sel $0x180000  }
0x13a: {  	[bflag:$0x0] =	sbarrier.arrive $0xFFFF  }
0x13b: {  	p0 =	sne.s32 s1, $0x0;
	_ =	strace $0x90000047  }
0x13c: {  	s0 =	sadd.s32 @!p0 $0x100000, s0;
	[bflag:$0x2] =	sbarrier.arrive $0xFFFF  }
0x13d: {  	[sflag:s0] =	ssyncadd.tile.s32 @!p0 $0x1;
	_ =	shalt  }
.Lfunc_end2:
_tile_overlayer_lowered:
.L_overlay_start_2:
0x13e: {  	(tag) =	ssettag $0x2  }
0x13f: {  	s0 =	rddreg [dreg:$0x0];
	s2 =	stileid.u32  }
0x140: {  	s1 =	rddreg [dreg:$0x1];
	p0 =	sne.s32 s2, $0x0  }
0x141: {  	s3 =	rddreg [dreg:$0x2];
	[bflag:$0x3] =	sbarrier.arrive $0xFFFF;
	s2 =	simm.s32 @!p0 $0x1C02  }
0x142: {  	[timem:s3], [sflag:s2] =	dma.local @!p0 [hbm:s0], s1  }
0x143: {  	s0 =	simm.s32 @!p0 $0x2  }
0x144: {  	_ =	swait.ge @!p0 [sflag:s0], s1  }
0x145: {  	s1 =	ssub.s32 @!p0 $0x0, s1;
	[sflag:s0] =	ssyncset.done @!p0 $0x0  }
0x146: {  	[sflag:s0] =	ssyncadd.s32 @!p0 s1  }
0x147: {  	[bflag:$0x3] =	sbarrier.arrive $0xFFFF  }
0x148: {  	_ =	shalt  }

</sc_bundles>
